<compile_context>
chip_gen: v7x
topology: tpu7x:2x2x1
jax: 0.10.2.dev20260603
libtpu: 0.0.44.dev20260713+nightly
codegen_flags: <defaults>
</compile_context>

<pallas_src>
import jax
import jax.numpy as jnp
from jax import lax
from jax.experimental import pallas as pl
from jax.experimental.pallas import tpu as pltpu
from jax.experimental.pallas import tpu_sc as plsc

_N = 16384
_C = 72
_NC = 2
_NS = 16
_NW = _NC * _NS
_ROWS = _N // _NW
_CHUNK = 16
_NCHUNK = _ROWS // _CHUNK

_LN2 = 0.6931471805599453
_SQRT2 = 1.4142135623730951


def _vlog(s):
    bits = lax.bitcast_convert_type(s, jnp.int32)
    e = (bits >> 23) - 127
    m = lax.bitcast_convert_type(
        (bits & 0x007FFFFF) | 0x3F800000, jnp.float32)
    big = m > _SQRT2
    m = jnp.where(big, 0.5 * m, m)
    ef = (e + jnp.where(big, 1, 0)).astype(jnp.float32)
    z = (m - 1.0) / (m + 1.0)
    z2 = z * z
    poly = 2.0 * z * (1.0 + z2 * (1.0 / 3.0 + z2 * (1.0 / 5.0 + z2 * (1.0 / 7.0))))
    return ef * _LN2 + poly


def _sc_body(score_hbm, label_hbm, out_hbm, slab, labs, outv, sem0, sem1):
    wid = lax.axis_index("s") * _NC + lax.axis_index("c")
    base = wid * _ROWS
    half = _ROWS // 2
    cp0 = pltpu.async_copy(
        score_hbm.at[:, pl.ds(base, half)], slab.at[:, pl.ds(0, half)], sem0)
    cp1 = pltpu.async_copy(
        score_hbm.at[:, pl.ds(base + half, half)],
        slab.at[:, pl.ds(half, half)], sem1)
    pltpu.sync_copy(label_hbm.at[pl.ds(base, _ROWS)], labs)

    def chunk(i, acc):
        lab = labs[pl.ds(i * _CHUNK, _CHUNK)]
        valid1 = lab > 0
        safe = jnp.where(valid1, lab, 1)
        p = jnp.where(safe > 8, (safe - 1) >> 3, 0)
        cols = i * _CHUNK + lax.iota(jnp.int32, 16)
        row_a = p * 8

        va = [jnp.exp(plsc.load_gather(slab, [row_a + j, cols]))
              for j in range(8)]
        sa = (va[0] + va[1]) + (va[2] + va[3])
        sa = sa + ((va[4] + va[5]) + (va[6] + va[7]))
        lse_a = _vlog(sa)
        tgt_a = plsc.load_gather(slab, [safe - 1, cols])

        vb = [jnp.exp(slab[j, pl.ds(i * _CHUNK, _CHUNK)]) for j in range(8)]
        sb = (vb[0] + vb[1]) + (vb[2] + vb[3])
        sb = sb + ((vb[4] + vb[5]) + (vb[6] + vb[7]))
        lse_b = _vlog(sb)
        valid2 = lab > 8
        tgt_b = plsc.load_gather(slab, [jnp.where(valid2, p - 1, 0), cols])

        loss = jnp.where(valid1, lse_a - tgt_a, 0.0)
        loss = loss + jnp.where(valid2, lse_b - tgt_b, 0.0)
        return acc + loss

    cp0.wait()
    acc = lax.fori_loop(0, _NCHUNK // 2, chunk, jnp.zeros((16,), jnp.float32))
    cp1.wait()
    acc = lax.fori_loop(_NCHUNK // 2, _NCHUNK, chunk, acc)
    outv[...] = acc
    pltpu.sync_copy(outv, out_hbm.at[wid])


_sc_loss = pl.kernel(
    _sc_body,
    out_type=jax.ShapeDtypeStruct((_NW, 16), jnp.float32),
    mesh=plsc.VectorSubcoreMesh(core_axis_name="c", subcore_axis_name="s"),
    compiler_params=pltpu.CompilerParams(
        needs_layout_passes=False, use_tc_tiling_on_sc=True),
    scratch_types=[
        pltpu.VMEM((_C, _ROWS), jnp.float32),
        pltpu.VMEM((_ROWS,), jnp.int32),
        pltpu.VMEM((16,), jnp.float32),
        pltpu.SemaphoreType.DMA,
        pltpu.SemaphoreType.DMA,
    ],
)


@jax.jit
def kernel(cls_score, label):
    part = _sc_loss(cls_score.T, label.astype(jnp.int32))
    return part.sum() / _N

# --- scband reference (transcript-rebuilt; emitter-appended) ---
"""Pipeline reference for scband-hierarchical-cross-entropy-loss-8770323219049 (READ-ONLY COPY).

The authoritative reference and input builder live on the scoring server;
editing this copy changes nothing except your own understanding.
"""

import jax, jax.numpy as jnp
import numpy as np

# 2-level word tree: root 0 -> children [1..8]; node i (1..8) -> children [8*i+1 .. 8*i+8]
_PARENTS = np.zeros(73, dtype=np.int32)
for l in range(1, 9):
    _PARENTS[l] = 0
for l in range(9, 73):
    _PARENTS[l] = (l - 1) // 8
_CHILDREN = np.zeros((9, 8), dtype=np.int32)
_CHILDREN[0] = np.arange(1, 9)
for i in range(1, 9):
    _CHILDREN[i] = np.arange(8 * i + 1, 8 * i + 9)

N = 16384
C = 72
LOSS_WEIGHT = 1.0


def setup_inputs(seed: int = 0):
    key = jax.random.key(seed)
    k1, k2 = jax.random.split(key)
    cls_score = jax.random.normal(k1, (N, C), dtype=jnp.float32)
    label = jax.random.randint(k2, (N,), 0, 73)
    return {"cls_score": cls_score, "label": label}


def _hier_loss(cls_score, label):
    parents = jnp.asarray(_PARENTS)
    children = jnp.asarray(_CHILDREN)
    n = cls_score.shape[0]
    rows = jnp.arange(n)

    def level_loss(node):
        # node: [n] int node-ids; node==0 means 'no loss at this level'
        valid = node > 0
        safe = jnp.where(valid, node, 1)
        p = parents[safe]                      # parent id of each node
        group = children[p]                    # [n, 8] sibling node-ids (same level)
        lp = jnp.take_along_axis(cls_score, group - 1, axis=1)  # gather level logits
        lse = jax.nn.logsumexp(lp, axis=1)
        # -log_softmax(level_pred)[pos(node)] == logsumexp(level_pred) - pred[node-1]
        ll = lse - cls_score[rows, safe - 1]
        return jnp.where(valid, ll, 0.0)

    node1 = label.astype(jnp.int32)
    l1 = level_loss(node1)
    # recurse once: parent level (tree depth is 2; parent of level-1 nodes is root -> 0 loss)
    node2 = jnp.where(node1 > 0, parents[jnp.where(node1 > 0, node1, 1)], 0)
    l2 = level_loss(node2)
    loss = l1 + l2
    return LOSS_WEIGHT * (loss.sum() / n)  # reduction='mean'


def reference(cls_score, label):
    return _hier_loss(cls_score, label)

if __name__ == "__main__":
    import jax
    _d = setup_inputs()
    print(jax.jit(kernel)(*tuple(_d.values())))

</pallas_src>

<mosaic_0001>
#map = affine_map<(d0, d1) -> (0, 0)>
#map1 = affine_map<(d0, d1) -> (0)>
module attributes {stable_mosaic.version = 14 : i64} {
  func.func @_sc_body(%arg0: i32, %arg1: i32, %arg2: memref<72x16384xf32, #tpu.memory_space<hbm>>, %arg3: memref<16384xi32, #tpu.memory_space<hbm>>, %arg4: memref<32x16xf32, #tpu.memory_space<hbm>>, %arg5: memref<72x512xf32, #tpu.memory_space<vmem>>, %arg6: memref<512xi32, #tpu.memory_space<vmem>>, %arg7: memref<16xf32, #tpu.memory_space<vmem>>, %arg8: memref<!tpu.dma_semaphore, #tpu.memory_space<semaphore_mem>>, %arg9: memref<!tpu.dma_semaphore, #tpu.memory_space<semaphore_mem>>) attributes {dimension_semantics = [#tpu.dimension_semantics<core_parallel>, #tpu.dimension_semantics<subcore_parallel>], iteration_bounds = array<i64: 2, 16>, scalar_prefetch = 0 : i64, scratch_operands = 5 : i64, tpu.core_type = #tpu.core_type<sc_vector_subcore>, window_params = [{transform_indices = #map}, {transform_indices = #map1}, {transform_indices = #map}]} {
    %mul3A = arith.constant 2 : i32
    %mul3A_0 = arith.muli %arg1, %mul3A : i32
    %add3A = arith.addi %mul3A_0, %arg0 : i32
    %mul3A_1 = arith.constant 512 : i32
    %mul3A_2 = arith.muli %add3A, %mul3A_1 : i32
    %dma_start3A = arith.constant 0 : i32
    %dma_start3A_3 = arith.constant 0 : i32
    %dma_start3A_4 = tpu.memref_slice %arg5[%dma_start3A, %dma_start3A_3] : memref<72x512xf32, #tpu.memory_space<vmem>> -> memref<72x256xf32, #tpu.memory_space<vmem>>
    %dma_start3A_5 = arith.constant 0 : i32
    %dma_start3A_6 = tpu.memref_slice %arg2[%dma_start3A_5, %mul3A_2] : memref<72x16384xf32, #tpu.memory_space<hbm>> -> memref<72x256xf32, #tpu.memory_space<hbm>>
    %dma_start3A_7 = arith.constant 0 : i32
    %dma_start3A_8 = arith.constant 0 : i32
    %dma_start3A_9 = tpu.memref_slice %arg5[%dma_start3A_7, %dma_start3A_8] : memref<72x512xf32, #tpu.memory_space<vmem>> -> memref<72x256xf32, #tpu.memory_space<vmem>>
    %dma_start3A_10 = arith.constant 0 : i32
    %dma_start3A_11 = tpu.memref_slice %arg2[%dma_start3A_10, %mul3A_2] : memref<72x16384xf32, #tpu.memory_space<hbm>> -> memref<72x256xf32, #tpu.memory_space<hbm>>
    tpu.enqueue_dma source(%dma_start3A_11 : memref<72x256xf32, #tpu.memory_space<hbm>>) target(%dma_start3A_9 : memref<72x256xf32, #tpu.memory_space<vmem>>) target_semaphore(%arg8 : memref<!tpu.dma_semaphore, #tpu.memory_space<semaphore_mem>>)
    %add3A_12 = arith.constant 256 : i32
    %add3A_13 = arith.addi %mul3A_2, %add3A_12 : i32
    %dma_start3A_14 = arith.constant 0 : i32
    %dma_start3A_15 = arith.constant 256 : i32
    %dma_start3A_16 = tpu.memref_slice %arg5[%dma_start3A_14, %dma_start3A_15] : memref<72x512xf32, #tpu.memory_space<vmem>> -> memref<72x256xf32, #tpu.memory_space<vmem>>
    %dma_start3A_17 = arith.constant 0 : i32
    %dma_start3A_18 = tpu.memref_slice %arg2[%dma_start3A_17, %add3A_13] : memref<72x16384xf32, #tpu.memory_space<hbm>> -> memref<72x256xf32, #tpu.memory_space<hbm>>
    %dma_start3A_19 = arith.constant 0 : i32
    %dma_start3A_20 = arith.constant 256 : i32
    %dma_start3A_21 = tpu.memref_slice %arg5[%dma_start3A_19, %dma_start3A_20] : memref<72x512xf32, #tpu.memory_space<vmem>> -> memref<72x256xf32, #tpu.memory_space<vmem>>
    %dma_start3A_22 = arith.constant 0 : i32
    %dma_start3A_23 = tpu.memref_slice %arg2[%dma_start3A_22, %add3A_13] : memref<72x16384xf32, #tpu.memory_space<hbm>> -> memref<72x256xf32, #tpu.memory_space<hbm>>
    tpu.enqueue_dma source(%dma_start3A_23 : memref<72x256xf32, #tpu.memory_space<hbm>>) target(%dma_start3A_21 : memref<72x256xf32, #tpu.memory_space<vmem>>) target_semaphore(%arg9 : memref<!tpu.dma_semaphore, #tpu.memory_space<semaphore_mem>>)
    "tpu.region"() ({
      %run_scoped3A = tpu.sem_alloc : memref<!tpu.dma_semaphore, #tpu.memory_space<semaphore_mem>>
      %dma_start3A_56 = tpu.memref_slice %arg3[%mul3A_2] : memref<16384xi32, #tpu.memory_space<hbm>> -> memref<512xi32, #tpu.memory_space<hbm>>
      %dma_start3A_57 = tpu.memref_slice %arg3[%mul3A_2] : memref<16384xi32, #tpu.memory_space<hbm>> -> memref<512xi32, #tpu.memory_space<hbm>>
      tpu.enqueue_dma source(%dma_start3A_57 : memref<512xi32, #tpu.memory_space<hbm>>) target(%arg6 : memref<512xi32, #tpu.memory_space<vmem>>) target_semaphore(%run_scoped3A : memref<!tpu.dma_semaphore, #tpu.memory_space<semaphore_mem>>)
      %dma_wait3A_58 = tpu.memref_slice %arg3[%mul3A_2] : memref<16384xi32, #tpu.memory_space<hbm>> -> memref<512xi32, #tpu.memory_space<hbm>>
      %dma_wait3A_59 = tpu.memref_slice %arg3[%mul3A_2] : memref<16384xi32, #tpu.memory_space<hbm>> -> memref<512xi32, #tpu.memory_space<hbm>>
      tpu.wait_dma2 semaphore(%run_scoped3A : memref<!tpu.dma_semaphore, #tpu.memory_space<semaphore_mem>>) src(%dma_wait3A_59 : memref<512xi32, #tpu.memory_space<hbm>>) dst(%arg6 : memref<512xi32, #tpu.memory_space<vmem>>)
      tpu.yield
    }) : () -> ()
    %dma_wait3A = arith.constant 0 : i32
    %dma_wait3A_24 = arith.constant 0 : i32
    %dma_wait3A_25 = tpu.memref_slice %arg5[%dma_wait3A, %dma_wait3A_24] : memref<72x512xf32, #tpu.memory_space<vmem>> -> memref<72x256xf32, #tpu.memory_space<vmem>>
    %dma_wait3A_26 = arith.constant 0 : i32
    %dma_wait3A_27 = tpu.memref_slice %arg2[%dma_wait3A_26, %mul3A_2] : memref<72x16384xf32, #tpu.memory_space<hbm>> -> memref<72x256xf32, #tpu.memory_space<hbm>>
    %dma_wait3A_28 = arith.constant 0 : i32
    %dma_wait3A_29 = arith.constant 0 : i32
    %dma_wait3A_30 = tpu.memref_slice %arg5[%dma_wait3A_28, %dma_wait3A_29] : memref<72x512xf32, #tpu.memory_space<vmem>> -> memref<72x256xf32, #tpu.memory_space<vmem>>
    %dma_wait3A_31 = arith.constant 0 : i32
    %dma_wait3A_32 = tpu.memref_slice %arg2[%dma_wait3A_31, %mul3A_2] : memref<72x16384xf32, #tpu.memory_space<hbm>> -> memref<72x256xf32, #tpu.memory_space<hbm>>
    tpu.wait_dma2 semaphore(%arg8 : memref<!tpu.dma_semaphore, #tpu.memory_space<semaphore_mem>>) src(%dma_wait3A_32 : memref<72x256xf32, #tpu.memory_space<hbm>>) dst(%dma_wait3A_30 : memref<72x256xf32, #tpu.memory_space<vmem>>)
    %broadcast_in_dim3A = arith.constant 0.000000e+00 : f32
    %broadcast_in_dim3A_33 = vector.broadcast %broadcast_in_dim3A : f32 to vector<16xf32>
    %scan3A = arith.constant 0 : i32
    %scan3A_34 = arith.constant 16 : i32
    %scan3A_35 = arith.addi %scan3A, %scan3A_34 : i32
    %scan3A_36 = arith.constant 1 : i32
    %scan3A_37 = scf.for %scan3A_56 = %scan3A to %scan3A_35 step %scan3A_36 iter_args(%scan3A_57 = %broadcast_in_dim3A_33) -> (vector<16xf32>)  : i32 {
      %mul3A_58 = arith.constant 16 : i32
      %mul3A_59 = arith.muli %scan3A_56, %mul3A_58 : i32
      %get3A = arith.index_cast %mul3A_59 : i32 to index
      %get3A_60 = tpu.vector_load %arg6[%get3A] {strides = array<i32>} : memref<512xi32, #tpu.memory_space<vmem>>, vector<16xi32>,
      %gt3A = arith.constant 0 : i32
      %gt3A_61 = vector.broadcast %gt3A : i32 to vector<16xi32>
      %gt3A_62 = arith.cmpi sgt, %get3A_60, %gt3A_61 : vector<16xi32>
      %jit3A = arith.constant 1 : i32
      %broadcast_in_dim3A_63 = vector.broadcast %jit3A : i32 to vector<16xi32>
      %select_n3A = arith.select %gt3A_62, %get3A_60, %broadcast_in_dim3A_63 : vector<16xi1>, vector<16xi32>
      %gt3A_64 = arith.constant 8 : i32
      %gt3A_65 = vector.broadcast %gt3A_64 : i32 to vector<16xi32>
      %gt3A_66 = arith.cmpi sgt, %select_n3A, %gt3A_65 : vector<16xi32>
      %sub3A = arith.constant 1 : i32
      %sub3A_67 = vector.broadcast %sub3A : i32 to vector<16xi32>
      %sub3A_68 = arith.subi %select_n3A, %sub3A_67 : vector<16xi32>
      %shift_right_arithmetic3A = arith.constant 3 : i32
      %shift_right_arithmetic3A_69 = vector.broadcast %shift_right_arithmetic3A : i32 to vector<16xi32>
      %shift_right_arithmetic3A_70 = arith.shrsi %sub3A_68, %shift_right_arithmetic3A_69 : vector<16xi32>
      %jit3A_71 = arith.constant 0 : i32
      %broadcast_in_dim3A_72 = vector.broadcast %jit3A_71 : i32 to vector<16xi32>
      %select_n3A_73 = arith.select %gt3A_66, %shift_right_arithmetic3A_70, %broadcast_in_dim3A_72 : vector<16xi1>, vector<16xi32>
      %mul3A_74 = arith.constant 16 : i32
      %mul3A_75 = arith.muli %scan3A_56, %mul3A_74 : i32
      %iota3A = tpu.iota {dimensions = array<i32: 0>} : vector<16xi32>
      %add3A_76 = vector.broadcast %mul3A_75 : i32 to vector<16xi32>
      %add3A_77 = arith.addi %add3A_76, %iota3A : vector<16xi32>
      %mul3A_78 = arith.constant 8 : i32
      %mul3A_79 = vector.broadcast %mul3A_78 : i32 to vector<16xi32>
      %mul3A_80 = arith.muli %select_n3A_73, %mul3A_79 : vector<16xi32>
      %add3A_81 = arith.constant 0 : i32
      %add3A_82 = vector.broadcast %add3A_81 : i32 to vector<16xi32>
      %add3A_83 = arith.addi %mul3A_80, %add3A_82 : vector<16xi32>
      %gather3A = tpu.vector_load_idx %arg5[%add3A_83, %add3A_77] : memref<72x512xf32, #tpu.memory_space<vmem>>[vector<16xi32>, vector<16xi32>], vector<16xf32>,
      %exp3A = math.exp %gather3A : vector<16xf32>
      %add3A_84 = arith.constant 1 : i32
      %add3A_85 = vector.broadcast %add3A_84 : i32 to vector<16xi32>
      %add3A_86 = arith.addi %mul3A_80, %add3A_85 : vector<16xi32>
      %gather3A_87 = tpu.vector_load_idx %arg5[%add3A_86, %add3A_77] : memref<72x512xf32, #tpu.memory_space<vmem>>[vector<16xi32>, vector<16xi32>], vector<16xf32>,
      %exp3A_88 = math.exp %gather3A_87 : vector<16xf32>
      %add3A_89 = arith.constant 2 : i32
      %add3A_90 = vector.broadcast %add3A_89 : i32 to vector<16xi32>
      %add3A_91 = arith.addi %mul3A_80, %add3A_90 : vector<16xi32>
      %gather3A_92 = tpu.vector_load_idx %arg5[%add3A_91, %add3A_77] : memref<72x512xf32, #tpu.memory_space<vmem>>[vector<16xi32>, vector<16xi32>], vector<16xf32>,
      %exp3A_93 = math.exp %gather3A_92 : vector<16xf32>
      %add3A_94 = arith.constant 3 : i32
      %add3A_95 = vector.broadcast %add3A_94 : i32 to vector<16xi32>
      %add3A_96 = arith.addi %mul3A_80, %add3A_95 : vector<16xi32>
      %gather3A_97 = tpu.vector_load_idx %arg5[%add3A_96, %add3A_77] : memref<72x512xf32, #tpu.memory_space<vmem>>[vector<16xi32>, vector<16xi32>], vector<16xf32>,
      %exp3A_98 = math.exp %gather3A_97 : vector<16xf32>
      %add3A_99 = arith.constant 4 : i32
      %add3A_100 = vector.broadcast %add3A_99 : i32 to vector<16xi32>
      %add3A_101 = arith.addi %mul3A_80, %add3A_100 : vector<16xi32>
      %gather3A_102 = tpu.vector_load_idx %arg5[%add3A_101, %add3A_77] : memref<72x512xf32, #tpu.memory_space<vmem>>[vector<16xi32>, vector<16xi32>], vector<16xf32>,
      %exp3A_103 = math.exp %gather3A_102 : vector<16xf32>
      %add3A_104 = arith.constant 5 : i32
      %add3A_105 = vector.broadcast %add3A_104 : i32 to vector<16xi32>
      %add3A_106 = arith.addi %mul3A_80, %add3A_105 : vector<16xi32>
      %gather3A_107 = tpu.vector_load_idx %arg5[%add3A_106, %add3A_77] : memref<72x512xf32, #tpu.memory_space<vmem>>[vector<16xi32>, vector<16xi32>], vector<16xf32>,
      %exp3A_108 = math.exp %gather3A_107 : vector<16xf32>
      %add3A_109 = arith.constant 6 : i32
      %add3A_110 = vector.broadcast %add3A_109 : i32 to vector<16xi32>
      %add3A_111 = arith.addi %mul3A_80, %add3A_110 : vector<16xi32>
      %gather3A_112 = tpu.vector_load_idx %arg5[%add3A_111, %add3A_77] : memref<72x512xf32, #tpu.memory_space<vmem>>[vector<16xi32>, vector<16xi32>], vector<16xf32>,
      %exp3A_113 = math.exp %gather3A_112 : vector<16xf32>
      %add3A_114 = arith.constant 7 : i32
      %add3A_115 = vector.broadcast %add3A_114 : i32 to vector<16xi32>
      %add3A_116 = arith.addi %mul3A_80, %add3A_115 : vector<16xi32>
      %gather3A_117 = tpu.vector_load_idx %arg5[%add3A_116, %add3A_77] : memref<72x512xf32, #tpu.memory_space<vmem>>[vector<16xi32>, vector<16xi32>], vector<16xf32>,
      %exp3A_118 = math.exp %gather3A_117 : vector<16xf32>
      %add3A_119 = arith.addf %exp3A, %exp3A_88 : vector<16xf32>
      %add3A_120 = arith.addf %exp3A_93, %exp3A_98 : vector<16xf32>
      %add3A_121 = arith.addf %add3A_119, %add3A_120 : vector<16xf32>
      %add3A_122 = arith.addf %exp3A_103, %exp3A_108 : vector<16xf32>
      %add3A_123 = arith.addf %exp3A_113, %exp3A_118 : vector<16xf32>
      %add3A_124 = arith.addf %add3A_122, %add3A_123 : vector<16xf32>
      %add3A_125 = arith.addf %add3A_121, %add3A_124 : vector<16xf32>
      %bitcast_convert_type3A = tpu.bitcast %add3A_125 : vector<16xf32> -> vector<16xi32>
      %shift_right_arithmetic3A_126 = arith.constant 23 : i32
      %shift_right_arithmetic3A_127 = vector.broadcast %shift_right_arithmetic3A_126 : i32 to vector<16xi32>
      %shift_right_arithmetic3A_128 = arith.shrsi %bitcast_convert_type3A, %shift_right_arithmetic3A_127 : vector<16xi32>
      %sub3A_129 = arith.constant 127 : i32
      %sub3A_130 = vector.broadcast %sub3A_129 : i32 to vector<16xi32>
      %sub3A_131 = arith.subi %shift_right_arithmetic3A_128, %sub3A_130 : vector<16xi32>
      %and3A = arith.constant 8388607 : i32
      %and3A_132 = vector.broadcast %and3A : i32 to vector<16xi32>
      %and3A_133 = arith.andi %bitcast_convert_type3A, %and3A_132 : vector<16xi32>
      %or3A = arith.constant 1065353216 : i32
      %or3A_134 = vector.broadcast %or3A : i32 to vector<16xi32>
      %or3A_135 = arith.ori %and3A_133, %or3A_134 : vector<16xi32>
      %bitcast_convert_type3A_136 = tpu.bitcast %or3A_135 : vector<16xi32> -> vector<16xf32>
      %gt3A_137 = arith.constant 1.41421354 : f32
      %gt3A_138 = vector.broadcast %gt3A_137 : f32 to vector<16xf32>
      %gt3A_139 = arith.cmpf ogt, %bitcast_convert_type3A_136, %gt3A_138 : vector<16xf32>
      %mul3A_140 = arith.constant 5.000000e-01 : f32
      %mul3A_141 = vector.broadcast %mul3A_140 : f32 to vector<16xf32>
      %mul3A_142 = arith.mulf %mul3A_141, %bitcast_convert_type3A_136 : vector<16xf32>
      %select_n3A_143 = arith.select %gt3A_139, %mul3A_142, %bitcast_convert_type3A_136 : vector<16xi1>, vector<16xf32>
      %jit3A_144 = arith.constant 1 : i32
      %jit3A_145 = arith.constant 0 : i32
      %broadcast_in_dim3A_146 = vector.broadcast %jit3A_144 : i32 to vector<16xi32>
      %broadcast_in_dim3A_147 = vector.broadcast %jit3A_145 : i32 to vector<16xi32>
      %select_n3A_148 = arith.select %gt3A_139, %broadcast_in_dim3A_146, %broadcast_in_dim3A_147 : vector<16xi1>, vector<16xi32>
      %add3A_149 = arith.addi %sub3A_131, %select_n3A_148 : vector<16xi32>
      %convert_element_type3A = arith.sitofp %add3A_149 : vector<16xi32> to vector<16xf32>
      %sub3A_150 = arith.constant 1.000000e+00 : f32
      %sub3A_151 = vector.broadcast %sub3A_150 : f32 to vector<16xf32>
      %sub3A_152 = arith.subf %select_n3A_143, %sub3A_151 : vector<16xf32>
      %add3A_153 = arith.constant 1.000000e+00 : f32
      %add3A_154 = vector.broadcast %add3A_153 : f32 to vector<16xf32>
      %add3A_155 = arith.addf %select_n3A_143, %add3A_154 : vector<16xf32>
      %div3A = arith.divf %sub3A_152, %add3A_155 : vector<16xf32>
      %mul3A_156 = arith.mulf %div3A, %div3A : vector<16xf32>
      %mul3A_157 = arith.constant 2.000000e+00 : f32
      %mul3A_158 = vector.broadcast %mul3A_157 : f32 to vector<16xf32>
      %mul3A_159 = arith.mulf %mul3A_158, %div3A : vector<16xf32>
      %mul3A_160 = arith.constant 0.142857149 : f32
      %mul3A_161 = vector.broadcast %mul3A_160 : f32 to vector<16xf32>
      %mul3A_162 = arith.mulf %mul3A_156, %mul3A_161 : vector<16xf32>
      %add3A_163 = arith.constant 2.000000e-01 : f32
      %add3A_164 = vector.broadcast %add3A_163 : f32 to vector<16xf32>
      %add3A_165 = arith.addf %add3A_164, %mul3A_162 : vector<16xf32>
      %mul3A_166 = arith.mulf %mul3A_156, %add3A_165 : vector<16xf32>
      %add3A_167 = arith.constant 0.333333343 : f32
      %add3A_168 = vector.broadcast %add3A_167 : f32 to vector<16xf32>
      %add3A_169 = arith.addf %add3A_168, %mul3A_166 : vector<16xf32>
      %mul3A_170 = arith.mulf %mul3A_156, %add3A_169 : vector<16xf32>
      %add3A_171 = arith.constant 1.000000e+00 : f32
      %add3A_172 = vector.broadcast %add3A_171 : f32 to vector<16xf32>
      %add3A_173 = arith.addf %add3A_172, %mul3A_170 : vector<16xf32>
      %mul3A_174 = arith.mulf %mul3A_159, %add3A_173 : vector<16xf32>
      %mul3A_175 = arith.constant 0.693147182 : f32
      %mul3A_176 = vector.broadcast %mul3A_175 : f32 to vector<16xf32>
      %mul3A_177 = arith.mulf %convert_element_type3A, %mul3A_176 : vector<16xf32>
      %add3A_178 = arith.addf %mul3A_177, %mul3A_174 : vector<16xf32>
      %sub3A_179 = arith.constant 1 : i32
      %sub3A_180 = vector.broadcast %sub3A_179 : i32 to vector<16xi32>
      %sub3A_181 = arith.subi %select_n3A, %sub3A_180 : vector<16xi32>
      %gather3A_182 = tpu.vector_load_idx %arg5[%sub3A_181, %add3A_77] : memref<72x512xf32, #tpu.memory_space<vmem>>[vector<16xi32>, vector<16xi32>], vector<16xf32>,
      %mul3A_183 = arith.constant 16 : i32
      %mul3A_184 = arith.muli %scan3A_56, %mul3A_183 : i32
      %get3A_185 = arith.constant 0 : i32
      %get3A_186 = arith.index_cast %get3A_185 : i32 to index
      %get3A_187 = arith.index_cast %mul3A_184 : i32 to index
      %get3A_188 = tpu.vector_load %arg5[%get3A_186, %get3A_187] {strides = array<i32>} : memref<72x512xf32, #tpu.memory_space<vmem>>, vector<16xf32>,
      %exp3A_189 = math.exp %get3A_188 : vector<16xf32>
      %mul3A_190 = arith.constant 16 : i32
      %mul3A_191 = arith.muli %scan3A_56, %mul3A_190 : i32
      %get3A_192 = arith.constant 1 : i32
      %get3A_193 = arith.index_cast %get3A_192 : i32 to index
      %get3A_194 = arith.index_cast %mul3A_191 : i32 to index
      %get3A_195 = tpu.vector_load %arg5[%get3A_193, %get3A_194] {strides = array<i32>} : memref<72x512xf32, #tpu.memory_space<vmem>>, vector<16xf32>,
      %exp3A_196 = math.exp %get3A_195 : vector<16xf32>
      %mul3A_197 = arith.constant 16 : i32
      %mul3A_198 = arith.muli %scan3A_56, %mul3A_197 : i32
      %get3A_199 = arith.constant 2 : i32
      %get3A_200 = arith.index_cast %get3A_199 : i32 to index
      %get3A_201 = arith.index_cast %mul3A_198 : i32 to index
      %get3A_202 = tpu.vector_load %arg5[%get3A_200, %get3A_201] {strides = array<i32>} : memref<72x512xf32, #tpu.memory_space<vmem>>, vector<16xf32>,
      %exp3A_203 = math.exp %get3A_202 : vector<16xf32>
      %mul3A_204 = arith.constant 16 : i32
      %mul3A_205 = arith.muli %scan3A_56, %mul3A_204 : i32
      %get3A_206 = arith.constant 3 : i32
      %get3A_207 = arith.index_cast %get3A_206 : i32 to index
      %get3A_208 = arith.index_cast %mul3A_205 : i32 to index
      %get3A_209 = tpu.vector_load %arg5[%get3A_207, %get3A_208] {strides = array<i32>} : memref<72x512xf32, #tpu.memory_space<vmem>>, vector<16xf32>,
      %exp3A_210 = math.exp %get3A_209 : vector<16xf32>
      %mul3A_211 = arith.constant 16 : i32
      %mul3A_212 = arith.muli %scan3A_56, %mul3A_211 : i32
      %get3A_213 = arith.constant 4 : i32
      %get3A_214 = arith.index_cast %get3A_213 : i32 to index
      %get3A_215 = arith.index_cast %mul3A_212 : i32 to index
      %get3A_216 = tpu.vector_load %arg5[%get3A_214, %get3A_215] {strides = array<i32>} : memref<72x512xf32, #tpu.memory_space<vmem>>, vector<16xf32>,
      %exp3A_217 = math.exp %get3A_216 : vector<16xf32>
      %mul3A_218 = arith.constant 16 : i32
      %mul3A_219 = arith.muli %scan3A_56, %mul3A_218 : i32
      %get3A_220 = arith.constant 5 : i32
      %get3A_221 = arith.index_cast %get3A_220 : i32 to index
      %get3A_222 = arith.index_cast %mul3A_219 : i32 to index
      %get3A_223 = tpu.vector_load %arg5[%get3A_221, %get3A_222] {strides = array<i32>} : memref<72x512xf32, #tpu.memory_space<vmem>>, vector<16xf32>,
      %exp3A_224 = math.exp %get3A_223 : vector<16xf32>
      %mul3A_225 = arith.constant 16 : i32
      %mul3A_226 = arith.muli %scan3A_56, %mul3A_225 : i32
      %get3A_227 = arith.constant 6 : i32
      %get3A_228 = arith.index_cast %get3A_227 : i32 to index
      %get3A_229 = arith.index_cast %mul3A_226 : i32 to index
      %get3A_230 = tpu.vector_load %arg5[%get3A_228, %get3A_229] {strides = array<i32>} : memref<72x512xf32, #tpu.memory_space<vmem>>, vector<16xf32>,
      %exp3A_231 = math.exp %get3A_230 : vector<16xf32>
      %mul3A_232 = arith.constant 16 : i32
      %mul3A_233 = arith.muli %scan3A_56, %mul3A_232 : i32
      %get3A_234 = arith.constant 7 : i32
      %get3A_235 = arith.index_cast %get3A_234 : i32 to index
      %get3A_236 = arith.index_cast %mul3A_233 : i32 to index
      %get3A_237 = tpu.vector_load %arg5[%get3A_235, %get3A_236] {strides = array<i32>} : memref<72x512xf32, #tpu.memory_space<vmem>>, vector<16xf32>,
      %exp3A_238 = math.exp %get3A_237 : vector<16xf32>
      %add3A_239 = arith.addf %exp3A_189, %exp3A_196 : vector<16xf32>
      %add3A_240 = arith.addf %exp3A_203, %exp3A_210 : vector<16xf32>
      %add3A_241 = arith.addf %add3A_239, %add3A_240 : vector<16xf32>
      %add3A_242 = arith.addf %exp3A_217, %exp3A_224 : vector<16xf32>
      %add3A_243 = arith.addf %exp3A_231, %exp3A_238 : vector<16xf32>
      %add3A_244 = arith.addf %add3A_242, %add3A_243 : vector<16xf32>
      %add3A_245 = arith.addf %add3A_241, %add3A_244 : vector<16xf32>
      %bitcast_convert_type3A_246 = tpu.bitcast %add3A_245 : vector<16xf32> -> vector<16xi32>
      %shift_right_arithmetic3A_247 = arith.constant 23 : i32
      %shift_right_arithmetic3A_248 = vector.broadcast %shift_right_arithmetic3A_247 : i32 to vector<16xi32>
      %shift_right_arithmetic3A_249 = arith.shrsi %bitcast_convert_type3A_246, %shift_right_arithmetic3A_248 : vector<16xi32>
      %sub3A_250 = arith.constant 127 : i32
      %sub3A_251 = vector.broadcast %sub3A_250 : i32 to vector<16xi32>
      %sub3A_252 = arith.subi %shift_right_arithmetic3A_249, %sub3A_251 : vector<16xi32>
      %and3A_253 = arith.constant 8388607 : i32
      %and3A_254 = vector.broadcast %and3A_253 : i32 to vector<16xi32>
      %and3A_255 = arith.andi %bitcast_convert_type3A_246, %and3A_254 : vector<16xi32>
      %or3A_256 = arith.constant 1065353216 : i32
      %or3A_257 = vector.broadcast %or3A_256 : i32 to vector<16xi32>
      %or3A_258 = arith.ori %and3A_255, %or3A_257 : vector<16xi32>
      %bitcast_convert_type3A_259 = tpu.bitcast %or3A_258 : vector<16xi32> -> vector<16xf32>
      %gt3A_260 = arith.constant 1.41421354 : f32
      %gt3A_261 = vector.broadcast %gt3A_260 : f32 to vector<16xf32>
      %gt3A_262 = arith.cmpf ogt, %bitcast_convert_type3A_259, %gt3A_261 : vector<16xf32>
      %mul3A_263 = arith.constant 5.000000e-01 : f32
      %mul3A_264 = vector.broadcast %mul3A_263 : f32 to vector<16xf32>
      %mul3A_265 = arith.mulf %mul3A_264, %bitcast_convert_type3A_259 : vector<16xf32>
      %select_n3A_266 = arith.select %gt3A_262, %mul3A_265, %bitcast_convert_type3A_259 : vector<16xi1>, vector<16xf32>
      %jit3A_267 = arith.constant 1 : i32
      %jit3A_268 = arith.constant 0 : i32
      %broadcast_in_dim3A_269 = vector.broadcast %jit3A_267 : i32 to vector<16xi32>
      %broadcast_in_dim3A_270 = vector.broadcast %jit3A_268 : i32 to vector<16xi32>
      %select_n3A_271 = arith.select %gt3A_262, %broadcast_in_dim3A_269, %broadcast_in_dim3A_270 : vector<16xi1>, vector<16xi32>
      %add3A_272 = arith.addi %sub3A_252, %select_n3A_271 : vector<16xi32>
      %convert_element_type3A_273 = arith.sitofp %add3A_272 : vector<16xi32> to vector<16xf32>
      %sub3A_274 = arith.constant 1.000000e+00 : f32
      %sub3A_275 = vector.broadcast %sub3A_274 : f32 to vector<16xf32>
      %sub3A_276 = arith.subf %select_n3A_266, %sub3A_275 : vector<16xf32>
      %add3A_277 = arith.constant 1.000000e+00 : f32
      %add3A_278 = vector.broadcast %add3A_277 : f32 to vector<16xf32>
      %add3A_279 = arith.addf %select_n3A_266, %add3A_278 : vector<16xf32>
      %div3A_280 = arith.divf %sub3A_276, %add3A_279 : vector<16xf32>
      %mul3A_281 = arith.mulf %div3A_280, %div3A_280 : vector<16xf32>
      %mul3A_282 = arith.constant 2.000000e+00 : f32
      %mul3A_283 = vector.broadcast %mul3A_282 : f32 to vector<16xf32>
      %mul3A_284 = arith.mulf %mul3A_283, %div3A_280 : vector<16xf32>
      %mul3A_285 = arith.constant 0.142857149 : f32
      %mul3A_286 = vector.broadcast %mul3A_285 : f32 to vector<16xf32>
      %mul3A_287 = arith.mulf %mul3A_281, %mul3A_286 : vector<16xf32>
      %add3A_288 = arith.constant 2.000000e-01 : f32
      %add3A_289 = vector.broadcast %add3A_288 : f32 to vector<16xf32>
      %add3A_290 = arith.addf %add3A_289, %mul3A_287 : vector<16xf32>
      %mul3A_291 = arith.mulf %mul3A_281, %add3A_290 : vector<16xf32>
      %add3A_292 = arith.constant 0.333333343 : f32
      %add3A_293 = vector.broadcast %add3A_292 : f32 to vector<16xf32>
      %add3A_294 = arith.addf %add3A_293, %mul3A_291 : vector<16xf32>
      %mul3A_295 = arith.mulf %mul3A_281, %add3A_294 : vector<16xf32>
      %add3A_296 = arith.constant 1.000000e+00 : f32
      %add3A_297 = vector.broadcast %add3A_296 : f32 to vector<16xf32>
      %add3A_298 = arith.addf %add3A_297, %mul3A_295 : vector<16xf32>
      %mul3A_299 = arith.mulf %mul3A_284, %add3A_298 : vector<16xf32>
      %mul3A_300 = arith.constant 0.693147182 : f32
      %mul3A_301 = vector.broadcast %mul3A_300 : f32 to vector<16xf32>
      %mul3A_302 = arith.mulf %convert_element_type3A_273, %mul3A_301 : vector<16xf32>
      %add3A_303 = arith.addf %mul3A_302, %mul3A_299 : vector<16xf32>
      %gt3A_304 = arith.constant 8 : i32
      %gt3A_305 = vector.broadcast %gt3A_304 : i32 to vector<16xi32>
      %gt3A_306 = arith.cmpi sgt, %get3A_60, %gt3A_305 : vector<16xi32>
      %sub3A_307 = arith.constant 1 : i32
      %sub3A_308 = vector.broadcast %sub3A_307 : i32 to vector<16xi32>
      %sub3A_309 = arith.subi %select_n3A_73, %sub3A_308 : vector<16xi32>
      %jit3A_310 = arith.constant 0 : i32
      %broadcast_in_dim3A_311 = vector.broadcast %jit3A_310 : i32 to vector<16xi32>
      %select_n3A_312 = arith.select %gt3A_306, %sub3A_309, %broadcast_in_dim3A_311 : vector<16xi1>, vector<16xi32>
      %gather3A_313 = tpu.vector_load_idx %arg5[%select_n3A_312, %add3A_77] : memref<72x512xf32, #tpu.memory_space<vmem>>[vector<16xi32>, vector<16xi32>], vector<16xf32>,
      %sub3A_314 = arith.subf %add3A_178, %gather3A_182 : vector<16xf32>
      %jit3A_315 = arith.constant 0.000000e+00 : f32
      %broadcast_in_dim3A_316 = vector.broadcast %jit3A_315 : f32 to vector<16xf32>
      %select_n3A_317 = arith.select %gt3A_62, %sub3A_314, %broadcast_in_dim3A_316 : vector<16xi1>, vector<16xf32>
      %sub3A_318 = arith.subf %add3A_303, %gather3A_313 : vector<16xf32>
      %jit3A_319 = arith.constant 0.000000e+00 : f32
      %broadcast_in_dim3A_320 = vector.broadcast %jit3A_319 : f32 to vector<16xf32>
      %select_n3A_321 = arith.select %gt3A_306, %sub3A_318, %broadcast_in_dim3A_320 : vector<16xi1>, vector<16xf32>
      %add3A_322 = arith.addf %select_n3A_317, %select_n3A_321 : vector<16xf32>
      %add3A_323 = arith.addf %scan3A_57, %add3A_322 : vector<16xf32>
      scf.yield %add3A_323 : vector<16xf32>
    }
    %scan3A_38 = arith.constant 16 : i32
    %dma_wait3A_39 = arith.constant 0 : i32
    %dma_wait3A_40 = arith.constant 256 : i32
    %dma_wait3A_41 = tpu.memref_slice %arg5[%dma_wait3A_39, %dma_wait3A_40] : memref<72x512xf32, #tpu.memory_space<vmem>> -> memref<72x256xf32, #tpu.memory_space<vmem>>
    %dma_wait3A_42 = arith.constant 0 : i32
    %dma_wait3A_43 = tpu.memref_slice %arg2[%dma_wait3A_42, %add3A_13] : memref<72x16384xf32, #tpu.memory_space<hbm>> -> memref<72x256xf32, #tpu.memory_space<hbm>>
    %dma_wait3A_44 = arith.constant 0 : i32
    %dma_wait3A_45 = arith.constant 256 : i32
    %dma_wait3A_46 = tpu.memref_slice %arg5[%dma_wait3A_44, %dma_wait3A_45] : memref<72x512xf32, #tpu.memory_space<vmem>> -> memref<72x256xf32, #tpu.memory_space<vmem>>
    %dma_wait3A_47 = arith.constant 0 : i32
    %dma_wait3A_48 = tpu.memref_slice %arg2[%dma_wait3A_47, %add3A_13] : memref<72x16384xf32, #tpu.memory_space<hbm>> -> memref<72x256xf32, #tpu.memory_space<hbm>>
    tpu.wait_dma2 semaphore(%arg9 : memref<!tpu.dma_semaphore, #tpu.memory_space<semaphore_mem>>) src(%dma_wait3A_48 : memref<72x256xf32, #tpu.memory_space<hbm>>) dst(%dma_wait3A_46 : memref<72x256xf32, #tpu.memory_space<vmem>>)
    %scan3A_49 = arith.constant 16 : i32
    %scan3A_50 = arith.constant 16 : i32
    %scan3A_51 = arith.addi %scan3A_49, %scan3A_50 : i32
    %scan3A_52 = arith.constant 1 : i32
    %scan3A_53 = scf.for %scan3A_56 = %scan3A_49 to %scan3A_51 step %scan3A_52 iter_args(%scan3A_57 = %scan3A_37) -> (vector<16xf32>)  : i32 {
      %mul3A_58 = arith.constant 16 : i32
      %mul3A_59 = arith.muli %scan3A_56, %mul3A_58 : i32
      %get3A = arith.index_cast %mul3A_59 : i32 to index
      %get3A_60 = tpu.vector_load %arg6[%get3A] {strides = array<i32>} : memref<512xi32, #tpu.memory_space<vmem>>, vector<16xi32>,
      %gt3A = arith.constant 0 : i32
      %gt3A_61 = vector.broadcast %gt3A : i32 to vector<16xi32>
      %gt3A_62 = arith.cmpi sgt, %get3A_60, %gt3A_61 : vector<16xi32>
      %jit3A = arith.constant 1 : i32
      %broadcast_in_dim3A_63 = vector.broadcast %jit3A : i32 to vector<16xi32>
      %select_n3A = arith.select %gt3A_62, %get3A_60, %broadcast_in_dim3A_63 : vector<16xi1>, vector<16xi32>
      %gt3A_64 = arith.constant 8 : i32
      %gt3A_65 = vector.broadcast %gt3A_64 : i32 to vector<16xi32>
      %gt3A_66 = arith.cmpi sgt, %select_n3A, %gt3A_65 : vector<16xi32>
      %sub3A = arith.constant 1 : i32
      %sub3A_67 = vector.broadcast %sub3A : i32 to vector<16xi32>
      %sub3A_68 = arith.subi %select_n3A, %sub3A_67 : vector<16xi32>
      %shift_right_arithmetic3A = arith.constant 3 : i32
      %shift_right_arithmetic3A_69 = vector.broadcast %shift_right_arithmetic3A : i32 to vector<16xi32>
      %shift_right_arithmetic3A_70 = arith.shrsi %sub3A_68, %shift_right_arithmetic3A_69 : vector<16xi32>
      %jit3A_71 = arith.constant 0 : i32
      %broadcast_in_dim3A_72 = vector.broadcast %jit3A_71 : i32 to vector<16xi32>
      %select_n3A_73 = arith.select %gt3A_66, %shift_right_arithmetic3A_70, %broadcast_in_dim3A_72 : vector<16xi1>, vector<16xi32>
      %mul3A_74 = arith.constant 16 : i32
      %mul3A_75 = arith.muli %scan3A_56, %mul3A_74 : i32
      %iota3A = tpu.iota {dimensions = array<i32: 0>} : vector<16xi32>
      %add3A_76 = vector.broadcast %mul3A_75 : i32 to vector<16xi32>
      %add3A_77 = arith.addi %add3A_76, %iota3A : vector<16xi32>
      %mul3A_78 = arith.constant 8 : i32
      %mul3A_79 = vector.broadcast %mul3A_78 : i32 to vector<16xi32>
      %mul3A_80 = arith.muli %select_n3A_73, %mul3A_79 : vector<16xi32>
      %add3A_81 = arith.constant 0 : i32
      %add3A_82 = vector.broadcast %add3A_81 : i32 to vector<16xi32>
      %add3A_83 = arith.addi %mul3A_80, %add3A_82 : vector<16xi32>
      %gather3A = tpu.vector_load_idx %arg5[%add3A_83, %add3A_77] : memref<72x512xf32, #tpu.memory_space<vmem>>[vector<16xi32>, vector<16xi32>], vector<16xf32>,
      %exp3A = math.exp %gather3A : vector<16xf32>
      %add3A_84 = arith.constant 1 : i32
      %add3A_85 = vector.broadcast %add3A_84 : i32 to vector<16xi32>
      %add3A_86 = arith.addi %mul3A_80, %add3A_85 : vector<16xi32>
      %gather3A_87 = tpu.vector_load_idx %arg5[%add3A_86, %add3A_77] : memref<72x512xf32, #tpu.memory_space<vmem>>[vector<16xi32>, vector<16xi32>], vector<16xf32>,
      %exp3A_88 = math.exp %gather3A_87 : vector<16xf32>
      %add3A_89 = arith.constant 2 : i32
      %add3A_90 = vector.broadcast %add3A_89 : i32 to vector<16xi32>
      %add3A_91 = arith.addi %mul3A_80, %add3A_90 : vector<16xi32>
      %gather3A_92 = tpu.vector_load_idx %arg5[%add3A_91, %add3A_77] : memref<72x512xf32, #tpu.memory_space<vmem>>[vector<16xi32>, vector<16xi32>], vector<16xf32>,
      %exp3A_93 = math.exp %gather3A_92 : vector<16xf32>
      %add3A_94 = arith.constant 3 : i32
      %add3A_95 = vector.broadcast %add3A_94 : i32 to vector<16xi32>
      %add3A_96 = arith.addi %mul3A_80, %add3A_95 : vector<16xi32>
      %gather3A_97 = tpu.vector_load_idx %arg5[%add3A_96, %add3A_77] : memref<72x512xf32, #tpu.memory_space<vmem>>[vector<16xi32>, vector<16xi32>], vector<16xf32>,
      %exp3A_98 = math.exp %gather3A_97 : vector<16xf32>
      %add3A_99 = arith.constant 4 : i32
      %add3A_100 = vector.broadcast %add3A_99 : i32 to vector<16xi32>
      %add3A_101 = arith.addi %mul3A_80, %add3A_100 : vector<16xi32>
      %gather3A_102 = tpu.vector_load_idx %arg5[%add3A_101, %add3A_77] : memref<72x512xf32, #tpu.memory_space<vmem>>[vector<16xi32>, vector<16xi32>], vector<16xf32>,
      %exp3A_103 = math.exp %gather3A_102 : vector<16xf32>
      %add3A_104 = arith.constant 5 : i32
      %add3A_105 = vector.broadcast %add3A_104 : i32 to vector<16xi32>
      %add3A_106 = arith.addi %mul3A_80, %add3A_105 : vector<16xi32>
      %gather3A_107 = tpu.vector_load_idx %arg5[%add3A_106, %add3A_77] : memref<72x512xf32, #tpu.memory_space<vmem>>[vector<16xi32>, vector<16xi32>], vector<16xf32>,
      %exp3A_108 = math.exp %gather3A_107 : vector<16xf32>
      %add3A_109 = arith.constant 6 : i32
      %add3A_110 = vector.broadcast %add3A_109 : i32 to vector<16xi32>
      %add3A_111 = arith.addi %mul3A_80, %add3A_110 : vector<16xi32>
      %gather3A_112 = tpu.vector_load_idx %arg5[%add3A_111, %add3A_77] : memref<72x512xf32, #tpu.memory_space<vmem>>[vector<16xi32>, vector<16xi32>], vector<16xf32>,
      %exp3A_113 = math.exp %gather3A_112 : vector<16xf32>
      %add3A_114 = arith.constant 7 : i32
      %add3A_115 = vector.broadcast %add3A_114 : i32 to vector<16xi32>
      %add3A_116 = arith.addi %mul3A_80, %add3A_115 : vector<16xi32>
      %gather3A_117 = tpu.vector_load_idx %arg5[%add3A_116, %add3A_77] : memref<72x512xf32, #tpu.memory_space<vmem>>[vector<16xi32>, vector<16xi32>], vector<16xf32>,
      %exp3A_118 = math.exp %gather3A_117 : vector<16xf32>
      %add3A_119 = arith.addf %exp3A, %exp3A_88 : vector<16xf32>
      %add3A_120 = arith.addf %exp3A_93, %exp3A_98 : vector<16xf32>
      %add3A_121 = arith.addf %add3A_119, %add3A_120 : vector<16xf32>
      %add3A_122 = arith.addf %exp3A_103, %exp3A_108 : vector<16xf32>
      %add3A_123 = arith.addf %exp3A_113, %exp3A_118 : vector<16xf32>
      %add3A_124 = arith.addf %add3A_122, %add3A_123 : vector<16xf32>
      %add3A_125 = arith.addf %add3A_121, %add3A_124 : vector<16xf32>
      %bitcast_convert_type3A = tpu.bitcast %add3A_125 : vector<16xf32> -> vector<16xi32>
      %shift_right_arithmetic3A_126 = arith.constant 23 : i32
      %shift_right_arithmetic3A_127 = vector.broadcast %shift_right_arithmetic3A_126 : i32 to vector<16xi32>
      %shift_right_arithmetic3A_128 = arith.shrsi %bitcast_convert_type3A, %shift_right_arithmetic3A_127 : vector<16xi32>
      %sub3A_129 = arith.constant 127 : i32
      %sub3A_130 = vector.broadcast %sub3A_129 : i32 to vector<16xi32>
      %sub3A_131 = arith.subi %shift_right_arithmetic3A_128, %sub3A_130 : vector<16xi32>
      %and3A = arith.constant 8388607 : i32
      %and3A_132 = vector.broadcast %and3A : i32 to vector<16xi32>
      %and3A_133 = arith.andi %bitcast_convert_type3A, %and3A_132 : vector<16xi32>
      %or3A = arith.constant 1065353216 : i32
      %or3A_134 = vector.broadcast %or3A : i32 to vector<16xi32>
      %or3A_135 = arith.ori %and3A_133, %or3A_134 : vector<16xi32>
      %bitcast_convert_type3A_136 = tpu.bitcast %or3A_135 : vector<16xi32> -> vector<16xf32>
      %gt3A_137 = arith.constant 1.41421354 : f32
      %gt3A_138 = vector.broadcast %gt3A_137 : f32 to vector<16xf32>
      %gt3A_139 = arith.cmpf ogt, %bitcast_convert_type3A_136, %gt3A_138 : vector<16xf32>
      %mul3A_140 = arith.constant 5.000000e-01 : f32
      %mul3A_141 = vector.broadcast %mul3A_140 : f32 to vector<16xf32>
      %mul3A_142 = arith.mulf %mul3A_141, %bitcast_convert_type3A_136 : vector<16xf32>
      %select_n3A_143 = arith.select %gt3A_139, %mul3A_142, %bitcast_convert_type3A_136 : vector<16xi1>, vector<16xf32>
      %jit3A_144 = arith.constant 1 : i32
      %jit3A_145 = arith.constant 0 : i32
      %broadcast_in_dim3A_146 = vector.broadcast %jit3A_144 : i32 to vector<16xi32>
      %broadcast_in_dim3A_147 = vector.broadcast %jit3A_145 : i32 to vector<16xi32>
      %select_n3A_148 = arith.select %gt3A_139, %broadcast_in_dim3A_146, %broadcast_in_dim3A_147 : vector<16xi1>, vector<16xi32>
      %add3A_149 = arith.addi %sub3A_131, %select_n3A_148 : vector<16xi32>
      %convert_element_type3A = arith.sitofp %add3A_149 : vector<16xi32> to vector<16xf32>
      %sub3A_150 = arith.constant 1.000000e+00 : f32
      %sub3A_151 = vector.broadcast %sub3A_150 : f32 to vector<16xf32>
      %sub3A_152 = arith.subf %select_n3A_143, %sub3A_151 : vector<16xf32>
      %add3A_153 = arith.constant 1.000000e+00 : f32
      %add3A_154 = vector.broadcast %add3A_153 : f32 to vector<16xf32>
      %add3A_155 = arith.addf %select_n3A_143, %add3A_154 : vector<16xf32>
      %div3A = arith.divf %sub3A_152, %add3A_155 : vector<16xf32>
      %mul3A_156 = arith.mulf %div3A, %div3A : vector<16xf32>
      %mul3A_157 = arith.constant 2.000000e+00 : f32
      %mul3A_158 = vector.broadcast %mul3A_157 : f32 to vector<16xf32>
      %mul3A_159 = arith.mulf %mul3A_158, %div3A : vector<16xf32>
      %mul3A_160 = arith.constant 0.142857149 : f32
      %mul3A_161 = vector.broadcast %mul3A_160 : f32 to vector<16xf32>
      %mul3A_162 = arith.mulf %mul3A_156, %mul3A_161 : vector<16xf32>
      %add3A_163 = arith.constant 2.000000e-01 : f32
      %add3A_164 = vector.broadcast %add3A_163 : f32 to vector<16xf32>
      %add3A_165 = arith.addf %add3A_164, %mul3A_162 : vector<16xf32>
      %mul3A_166 = arith.mulf %mul3A_156, %add3A_165 : vector<16xf32>
      %add3A_167 = arith.constant 0.333333343 : f32
      %add3A_168 = vector.broadcast %add3A_167 : f32 to vector<16xf32>
      %add3A_169 = arith.addf %add3A_168, %mul3A_166 : vector<16xf32>
      %mul3A_170 = arith.mulf %mul3A_156, %add3A_169 : vector<16xf32>
      %add3A_171 = arith.constant 1.000000e+00 : f32
      %add3A_172 = vector.broadcast %add3A_171 : f32 to vector<16xf32>
      %add3A_173 = arith.addf %add3A_172, %mul3A_170 : vector<16xf32>
      %mul3A_174 = arith.mulf %mul3A_159, %add3A_173 : vector<16xf32>
      %mul3A_175 = arith.constant 0.693147182 : f32
      %mul3A_176 = vector.broadcast %mul3A_175 : f32 to vector<16xf32>
      %mul3A_177 = arith.mulf %convert_element_type3A, %mul3A_176 : vector<16xf32>
      %add3A_178 = arith.addf %mul3A_177, %mul3A_174 : vector<16xf32>
      %sub3A_179 = arith.constant 1 : i32
      %sub3A_180 = vector.broadcast %sub3A_179 : i32 to vector<16xi32>
      %sub3A_181 = arith.subi %select_n3A, %sub3A_180 : vector<16xi32>
      %gather3A_182 = tpu.vector_load_idx %arg5[%sub3A_181, %add3A_77] : memref<72x512xf32, #tpu.memory_space<vmem>>[vector<16xi32>, vector<16xi32>], vector<16xf32>,
      %mul3A_183 = arith.constant 16 : i32
      %mul3A_184 = arith.muli %scan3A_56, %mul3A_183 : i32
      %get3A_185 = arith.constant 0 : i32
      %get3A_186 = arith.index_cast %get3A_185 : i32 to index
      %get3A_187 = arith.index_cast %mul3A_184 : i32 to index
      %get3A_188 = tpu.vector_load %arg5[%get3A_186, %get3A_187] {strides = array<i32>} : memref<72x512xf32, #tpu.memory_space<vmem>>, vector<16xf32>,
      %exp3A_189 = math.exp %get3A_188 : vector<16xf32>
      %mul3A_190 = arith.constant 16 : i32
      %mul3A_191 = arith.muli %scan3A_56, %mul3A_190 : i32
      %get3A_192 = arith.constant 1 : i32
      %get3A_193 = arith.index_cast %get3A_192 : i32 to index
      %get3A_194 = arith.index_cast %mul3A_191 : i32 to index
      %get3A_195 = tpu.vector_load %arg5[%get3A_193, %get3A_194] {strides = array<i32>} : memref<72x512xf32, #tpu.memory_space<vmem>>, vector<16xf32>,
      %exp3A_196 = math.exp %get3A_195 : vector<16xf32>
      %mul3A_197 = arith.constant 16 : i32
      %mul3A_198 = arith.muli %scan3A_56, %mul3A_197 : i32
      %get3A_199 = arith.constant 2 : i32
      %get3A_200 = arith.index_cast %get3A_199 : i32 to index
      %get3A_201 = arith.index_cast %mul3A_198 : i32 to index
      %get3A_202 = tpu.vector_load %arg5[%get3A_200, %get3A_201] {strides = array<i32>} : memref<72x512xf32, #tpu.memory_space<vmem>>, vector<16xf32>,
      %exp3A_203 = math.exp %get3A_202 : vector<16xf32>
      %mul3A_204 = arith.constant 16 : i32
      %mul3A_205 = arith.muli %scan3A_56, %mul3A_204 : i32
      %get3A_206 = arith.constant 3 : i32
      %get3A_207 = arith.index_cast %get3A_206 : i32 to index
      %get3A_208 = arith.index_cast %mul3A_205 : i32 to index
      %get3A_209 = tpu.vector_load %arg5[%get3A_207, %get3A_208] {strides = array<i32>} : memref<72x512xf32, #tpu.memory_space<vmem>>, vector<16xf32>,
      %exp3A_210 = math.exp %get3A_209 : vector<16xf32>
      %mul3A_211 = arith.constant 16 : i32
      %mul3A_212 = arith.muli %scan3A_56, %mul3A_211 : i32
      %get3A_213 = arith.constant 4 : i32
      %get3A_214 = arith.index_cast %get3A_213 : i32 to index
      %get3A_215 = arith.index_cast %mul3A_212 : i32 to index
      %get3A_216 = tpu.vector_load %arg5[%get3A_214, %get3A_215] {strides = array<i32>} : memref<72x512xf32, #tpu.memory_space<vmem>>, vector<16xf32>,
      %exp3A_217 = math.exp %get3A_216 : vector<16xf32>
      %mul3A_218 = arith.constant 16 : i32
      %mul3A_219 = arith.muli %scan3A_56, %mul3A_218 : i32
      %get3A_220 = arith.constant 5 : i32
      %get3A_221 = arith.index_cast %get3A_220 : i32 to index
      %get3A_222 = arith.index_cast %mul3A_219 : i32 to index
      %get3A_223 = tpu.vector_load %arg5[%get3A_221, %get3A_222] {strides = array<i32>} : memref<72x512xf32, #tpu.memory_space<vmem>>, vector<16xf32>,
      %exp3A_224 = math.exp %get3A_223 : vector<16xf32>
      %mul3A_225 = arith.constant 16 : i32
      %mul3A_226 = arith.muli %scan3A_56, %mul3A_225 : i32
      %get3A_227 = arith.constant 6 : i32
      %get3A_228 = arith.index_cast %get3A_227 : i32 to index
      %get3A_229 = arith.index_cast %mul3A_226 : i32 to index
      %get3A_230 = tpu.vector_load %arg5[%get3A_228, %get3A_229] {strides = array<i32>} : memref<72x512xf32, #tpu.memory_space<vmem>>, vector<16xf32>,
      %exp3A_231 = math.exp %get3A_230 : vector<16xf32>
      %mul3A_232 = arith.constant 16 : i32
      %mul3A_233 = arith.muli %scan3A_56, %mul3A_232 : i32
      %get3A_234 = arith.constant 7 : i32
      %get3A_235 = arith.index_cast %get3A_234 : i32 to index
      %get3A_236 = arith.index_cast %mul3A_233 : i32 to index
      %get3A_237 = tpu.vector_load %arg5[%get3A_235, %get3A_236] {strides = array<i32>} : memref<72x512xf32, #tpu.memory_space<vmem>>, vector<16xf32>,
      %exp3A_238 = math.exp %get3A_237 : vector<16xf32>
      %add3A_239 = arith.addf %exp3A_189, %exp3A_196 : vector<16xf32>
      %add3A_240 = arith.addf %exp3A_203, %exp3A_210 : vector<16xf32>
      %add3A_241 = arith.addf %add3A_239, %add3A_240 : vector<16xf32>
      %add3A_242 = arith.addf %exp3A_217, %exp3A_224 : vector<16xf32>
      %add3A_243 = arith.addf %exp3A_231, %exp3A_238 : vector<16xf32>
      %add3A_244 = arith.addf %add3A_242, %add3A_243 : vector<16xf32>
      %add3A_245 = arith.addf %add3A_241, %add3A_244 : vector<16xf32>
      %bitcast_convert_type3A_246 = tpu.bitcast %add3A_245 : vector<16xf32> -> vector<16xi32>
      %shift_right_arithmetic3A_247 = arith.constant 23 : i32
      %shift_right_arithmetic3A_248 = vector.broadcast %shift_right_arithmetic3A_247 : i32 to vector<16xi32>
      %shift_right_arithmetic3A_249 = arith.shrsi %bitcast_convert_type3A_246, %shift_right_arithmetic3A_248 : vector<16xi32>
      %sub3A_250 = arith.constant 127 : i32
      %sub3A_251 = vector.broadcast %sub3A_250 : i32 to vector<16xi32>
      %sub3A_252 = arith.subi %shift_right_arithmetic3A_249, %sub3A_251 : vector<16xi32>
      %and3A_253 = arith.constant 8388607 : i32
      %and3A_254 = vector.broadcast %and3A_253 : i32 to vector<16xi32>
      %and3A_255 = arith.andi %bitcast_convert_type3A_246, %and3A_254 : vector<16xi32>
      %or3A_256 = arith.constant 1065353216 : i32
      %or3A_257 = vector.broadcast %or3A_256 : i32 to vector<16xi32>
      %or3A_258 = arith.ori %and3A_255, %or3A_257 : vector<16xi32>
      %bitcast_convert_type3A_259 = tpu.bitcast %or3A_258 : vector<16xi32> -> vector<16xf32>
      %gt3A_260 = arith.constant 1.41421354 : f32
      %gt3A_261 = vector.broadcast %gt3A_260 : f32 to vector<16xf32>
      %gt3A_262 = arith.cmpf ogt, %bitcast_convert_type3A_259, %gt3A_261 : vector<16xf32>
      %mul3A_263 = arith.constant 5.000000e-01 : f32
      %mul3A_264 = vector.broadcast %mul3A_263 : f32 to vector<16xf32>
      %mul3A_265 = arith.mulf %mul3A_264, %bitcast_convert_type3A_259 : vector<16xf32>
      %select_n3A_266 = arith.select %gt3A_262, %mul3A_265, %bitcast_convert_type3A_259 : vector<16xi1>, vector<16xf32>
      %jit3A_267 = arith.constant 1 : i32
      %jit3A_268 = arith.constant 0 : i32
      %broadcast_in_dim3A_269 = vector.broadcast %jit3A_267 : i32 to vector<16xi32>
      %broadcast_in_dim3A_270 = vector.broadcast %jit3A_268 : i32 to vector<16xi32>
      %select_n3A_271 = arith.select %gt3A_262, %broadcast_in_dim3A_269, %broadcast_in_dim3A_270 : vector<16xi1>, vector<16xi32>
      %add3A_272 = arith.addi %sub3A_252, %select_n3A_271 : vector<16xi32>
      %convert_element_type3A_273 = arith.sitofp %add3A_272 : vector<16xi32> to vector<16xf32>
      %sub3A_274 = arith.constant 1.000000e+00 : f32
      %sub3A_275 = vector.broadcast %sub3A_274 : f32 to vector<16xf32>
      %sub3A_276 = arith.subf %select_n3A_266, %sub3A_275 : vector<16xf32>
      %add3A_277 = arith.constant 1.000000e+00 : f32
      %add3A_278 = vector.broadcast %add3A_277 : f32 to vector<16xf32>
      %add3A_279 = arith.addf %select_n3A_266, %add3A_278 : vector<16xf32>
      %div3A_280 = arith.divf %sub3A_276, %add3A_279 : vector<16xf32>
      %mul3A_281 = arith.mulf %div3A_280, %div3A_280 : vector<16xf32>
      %mul3A_282 = arith.constant 2.000000e+00 : f32
      %mul3A_283 = vector.broadcast %mul3A_282 : f32 to vector<16xf32>
      %mul3A_284 = arith.mulf %mul3A_283, %div3A_280 : vector<16xf32>
      %mul3A_285 = arith.constant 0.142857149 : f32
      %mul3A_286 = vector.broadcast %mul3A_285 : f32 to vector<16xf32>
      %mul3A_287 = arith.mulf %mul3A_281, %mul3A_286 : vector<16xf32>
      %add3A_288 = arith.constant 2.000000e-01 : f32
      %add3A_289 = vector.broadcast %add3A_288 : f32 to vector<16xf32>
      %add3A_290 = arith.addf %add3A_289, %mul3A_287 : vector<16xf32>
      %mul3A_291 = arith.mulf %mul3A_281, %add3A_290 : vector<16xf32>
      %add3A_292 = arith.constant 0.333333343 : f32
      %add3A_293 = vector.broadcast %add3A_292 : f32 to vector<16xf32>
      %add3A_294 = arith.addf %add3A_293, %mul3A_291 : vector<16xf32>
      %mul3A_295 = arith.mulf %mul3A_281, %add3A_294 : vector<16xf32>
      %add3A_296 = arith.constant 1.000000e+00 : f32
      %add3A_297 = vector.broadcast %add3A_296 : f32 to vector<16xf32>
      %add3A_298 = arith.addf %add3A_297, %mul3A_295 : vector<16xf32>
      %mul3A_299 = arith.mulf %mul3A_284, %add3A_298 : vector<16xf32>
      %mul3A_300 = arith.constant 0.693147182 : f32
      %mul3A_301 = vector.broadcast %mul3A_300 : f32 to vector<16xf32>
      %mul3A_302 = arith.mulf %convert_element_type3A_273, %mul3A_301 : vector<16xf32>
      %add3A_303 = arith.addf %mul3A_302, %mul3A_299 : vector<16xf32>
      %gt3A_304 = arith.constant 8 : i32
      %gt3A_305 = vector.broadcast %gt3A_304 : i32 to vector<16xi32>
      %gt3A_306 = arith.cmpi sgt, %get3A_60, %gt3A_305 : vector<16xi32>
      %sub3A_307 = arith.constant 1 : i32
      %sub3A_308 = vector.broadcast %sub3A_307 : i32 to vector<16xi32>
      %sub3A_309 = arith.subi %select_n3A_73, %sub3A_308 : vector<16xi32>
      %jit3A_310 = arith.constant 0 : i32
      %broadcast_in_dim3A_311 = vector.broadcast %jit3A_310 : i32 to vector<16xi32>
      %select_n3A_312 = arith.select %gt3A_306, %sub3A_309, %broadcast_in_dim3A_311 : vector<16xi1>, vector<16xi32>
      %gather3A_313 = tpu.vector_load_idx %arg5[%select_n3A_312, %add3A_77] : memref<72x512xf32, #tpu.memory_space<vmem>>[vector<16xi32>, vector<16xi32>], vector<16xf32>,
      %sub3A_314 = arith.subf %add3A_178, %gather3A_182 : vector<16xf32>
      %jit3A_315 = arith.constant 0.000000e+00 : f32
      %broadcast_in_dim3A_316 = vector.broadcast %jit3A_315 : f32 to vector<16xf32>
      %select_n3A_317 = arith.select %gt3A_62, %sub3A_314, %broadcast_in_dim3A_316 : vector<16xi1>, vector<16xf32>
      %sub3A_318 = arith.subf %add3A_303, %gather3A_313 : vector<16xf32>
      %jit3A_319 = arith.constant 0.000000e+00 : f32
      %broadcast_in_dim3A_320 = vector.broadcast %jit3A_319 : f32 to vector<16xf32>
      %select_n3A_321 = arith.select %gt3A_306, %sub3A_318, %broadcast_in_dim3A_320 : vector<16xi1>, vector<16xf32>
      %add3A_322 = arith.addf %select_n3A_317, %select_n3A_321 : vector<16xf32>
      %add3A_323 = arith.addf %scan3A_57, %add3A_322 : vector<16xf32>
      scf.yield %add3A_323 : vector<16xf32>
    }
    %scan3A_54 = arith.constant 16 : i32
    %swap3A = arith.constant 0 : index
    %swap3A_55 = tpu.vector_load %arg7[%swap3A] {strides = array<i32>} : memref<16xf32, #tpu.memory_space<vmem>>, vector<16xf32>,
    tpu.vector_store %arg7[%swap3A], %scan3A_53 {strides = array<i32>} : memref<16xf32, #tpu.memory_space<vmem>>, vector<16xf32>,
    "tpu.region"() ({
      %run_scoped3A = tpu.sem_alloc : memref<!tpu.dma_semaphore, #tpu.memory_space<semaphore_mem>>
      %dma_start3A_56 = arith.constant 0 : i32
      %dma_start3A_57 = tpu.memref_slice %arg4[%add3A, %dma_start3A_56] : memref<32x16xf32, #tpu.memory_space<hbm>> -> memref<1x16xf32, #tpu.memory_space<hbm>>
      %dma_start3A_58 = tpu.memref_squeeze %dma_start3A_57 : memref<1x16xf32, #tpu.memory_space<hbm>> -> memref<16xf32, #tpu.memory_space<hbm>>
      %dma_start3A_59 = arith.constant 0 : i32
      %dma_start3A_60 = tpu.memref_slice %arg4[%add3A, %dma_start3A_59] : memref<32x16xf32, #tpu.memory_space<hbm>> -> memref<1x16xf32, #tpu.memory_space<hbm>>
      %dma_start3A_61 = tpu.memref_squeeze %dma_start3A_60 : memref<1x16xf32, #tpu.memory_space<hbm>> -> memref<16xf32, #tpu.memory_space<hbm>>
      tpu.enqueue_dma source(%arg7 : memref<16xf32, #tpu.memory_space<vmem>>) target(%dma_start3A_61 : memref<16xf32, #tpu.memory_space<hbm>>) target_semaphore(%run_scoped3A : memref<!tpu.dma_semaphore, #tpu.memory_space<semaphore_mem>>)
      %dma_wait3A_62 = arith.constant 0 : i32
      %dma_wait3A_63 = tpu.memref_slice %arg4[%add3A, %dma_wait3A_62] : memref<32x16xf32, #tpu.memory_space<hbm>> -> memref<1x16xf32, #tpu.memory_space<hbm>>
      %dma_wait3A_64 = tpu.memref_squeeze %dma_wait3A_63 : memref<1x16xf32, #tpu.memory_space<hbm>> -> memref<16xf32, #tpu.memory_space<hbm>>
      %dma_wait3A_65 = arith.constant 0 : i32
      %dma_wait3A_66 = tpu.memref_slice %arg4[%add3A, %dma_wait3A_65] : memref<32x16xf32, #tpu.memory_space<hbm>> -> memref<1x16xf32, #tpu.memory_space<hbm>>
      %dma_wait3A_67 = tpu.memref_squeeze %dma_wait3A_66 : memref<1x16xf32, #tpu.memory_space<hbm>> -> memref<16xf32, #tpu.memory_space<hbm>>
      tpu.wait_dma2 semaphore(%run_scoped3A : memref<!tpu.dma_semaphore, #tpu.memory_space<semaphore_mem>>) src(%arg7 : memref<16xf32, #tpu.memory_space<vmem>>) dst(%dma_wait3A_67 : memref<16xf32, #tpu.memory_space<hbm>>)
      tpu.yield
    }) : () -> ()
    return
  }
}

</mosaic_0001>

<sc_bundles>
// kernel: kernel.3.cloned.1.call-start
scs
__scs_entry_jumppad:
0x0: {  	(pc) =	sbr.rel $0x88, $3  }
0x1: {  	(tag) =	ssettag $0x0;
	lr =	simm.s32 $0x1  }
0x2: {  	[smem:$0x3F9F] =	sst lr;
	_ =	strace $0xD0000000  }
0x3: {  	_ = 	snop  }
0x4: {  	_ = 	snop  }
0x5: {  	_ = 	snop  }
0x6: {  	_ = 	snop  }
0x7: {  	_ = 	snop  }
__scs_overlays_trampoline_lowered:
0x8: {  	[smem:$0x3FAE] =	sst s0  }
0x9: {  	[smem:$0x3FAF] =	sst s1  }
0xa: {  	[smem:$0x3FB0] =	sst s2  }
0xb: {  	[smem:$0x3FB1] =	sst s3  }
0xc: {  	[smem:$0x3FB2] =	sst s4  }
0xd: {  	[smem:$0x3FB3] =	sst s5  }
0xe: {  	[smem:$0x3FB4] =	sst s6  }
0xf: {  	[smem:$0x3FB5] =	sst s7  }
0x10: {  	[smem:$0x3FB6] =	sst s8  }
0x11: {  	[smem:$0x3FB7] =	sst s9;
	s0 =	simm.s32 @!p0 $0x0  }
0x12: {  	s1 =	sld [smem:$0x3F9D];
	s0 =	simm.s32 @p0 $0x1  }
0x13: {  	[smem:$0x3FB8] =	sst s0;
	s0 =	simm.s32 @!p1 $0x0  }
0x14: {  	s2 =	sld [smem:$0x3F9C];
	s0 =	simm.s32 @p1 $0x1  }
0x15: {  	[smem:$0x3FB9] =	sst s0;
	s0 =	simm.s32 @!p2 $0x0  }
0x16: {  	s3 =	sld [smem:$0x3FDB];
	s0 =	simm.s32 @p2 $0x1  }
0x17: {  	s4 =	simm.s32 $0x1BF5;
	[smem:$0x3FBB] =	sst s0  }
0x18: {  	s0 =	sld [smem:$0x3F9E];
	_ =	swait.ge [sflag:s4], $0x0  }
0x19: {  	s7 =	sld [smem:$0x3F9F]  }
0x1a: {  	s8 =	sadd.s32 $0xFFFFE003, lr  }
0x1b: {  	s9 =	sadd.s32 $0xFFFFFEF7, lr;
	s5 =	simm.s32 $0xFFFFFFFF;
	p2 =	slt.u32 s8, $0xFFFFF086  }
0x1c: {  	p1 =	slt.u32 s9, $0xF7A;
	s5 =	simm.s32 @!p2 $0x0  }
0x1d: {  	s5 =	simm.s32 @p1 $0x1;
	p0 =	seq.s32 s7, s2  }
0x1e: {  	s7 =	smul.u32 @!p0 $0xF7A, s2;
	p2 =	seq.s32 @!p0 s5, $0x0  }
0x1f: {  	s9 =	smul.u32 $0xF7A, s1;
	s8 =	simm.s32 @!p0 $0x1BF5;
	p2 =	por !p2, p0  }
0x20: {  	[sflag:s8] =	ssyncset.s32 @!p0 $0xFFFFF086;
	s6 =	sadd.s32 @!p0 s3, s7;
	s7 =	simm.s32 @!p0 $0x108  }
0x21: {  	s3 =	sadd.s32 s3, s9;
	s6 =	sadd.s32 @!p0 $0x88, s6;
	s7 =	simm.s32 @p2 $0x1082  }
0x22: {  	[simem:s7], [sflag:s8] =	dma.local @!p0 [hbm:s6], $0xF7A  }
0x23: {  	s9 =	sor.u32 $0xD0000000, s2;
	s6 =	simm.s32 $0x108;
	_ =	swait.ge @!p0 [sflag:s8], $0x0  }
0x24: {  	s3 =	sadd.s32 $0x88, s3;
	s6 =	simm.s32 @!p1 $0x1082;
	[sflag:s4] =	ssyncset.s32 $0xFFFFF086  }
0x25: {  	[simem:s6], [sflag:s4] =	dma.local [hbm:s3], $0xF7A  }
0x26: {  	[smem:$0x3F9F] =	sst s1;
	(tag) =	ssettag s2;
	_ =	strace s9  }
0x27: {  	s1 =	sld [smem:$0x3FAF]  }
0x28: {  	s2 =	sld [smem:$0x3FB0]  }
0x29: {  	s4 =	sld [smem:$0x3FB2]  }
0x2a: {  	p0 =	seq.s32 s5, $0x0;
	s5 =	sld [smem:$0x3FB3]  }
0x2b: {  	s6 =	sld [smem:$0x3FB4]  }
0x2c: {  	s7 =	sld [smem:$0x3FB5]  }
0x2d: {  	s3 =	simm.s32 $0x108;
	s8 =	sld [smem:$0x3FB6]  }
0x2e: {  	s3 =	simm.s32 @!p0 $0x1082;
	s9 =	sld [smem:$0x3FB7]  }
0x2f: {  	lr =	sadd.s32 s0, s3;
	s0 =	sld [smem:$0x3FAE]  }
0x30: {  	s3 =	sld [smem:$0x3FB1]  }
0x31: {  	[smem:$0x3FBA] =	sst s10  }
0x32: {  	s10 =	sld [smem:$0x3FB8];
	_ =	sdelay $0x3  }
0x33: {  	p0 =	seq.s32 s10, $0x1;
	s10 =	sld [smem:$0x3FBA];
	_ =	sdelay $0x3  }
0x34: {  	[smem:$0x3FBA] =	sst s10  }
0x35: {  	s10 =	sld [smem:$0x3FB9];
	_ =	sdelay $0x3  }
0x36: {  	p1 =	seq.s32 s10, $0x1;
	s10 =	sld [smem:$0x3FBA];
	_ =	sdelay $0x3  }
0x37: {  	[smem:$0x3FBA] =	sst s10  }
0x38: {  	s10 =	sld [smem:$0x3FBB]  }
0x39: {  	_ = 	snop;
	(pc) =	sbr.ind lr, $3  }
0x3a: {  	_ = 	snop  }
0x3b: {  	_ = 	snop  }
0x3c: {  	p2 =	seq.s32 s10, $0x1;
	s10 =	sld [smem:$0x3FBA]  }
0x3d: {  	_ =	shalt  }
0x3e: {  	_ =	shalt  }
0x3f: {  	_ =	shalt  }
0x40: {  	_ =	shalt  }
0x41: {  	_ =	shalt  }
0x42: {  	_ =	shalt  }
0x43: {  	_ =	shalt  }
0x44: {  	_ =	shalt  }
0x45: {  	_ =	shalt  }
0x46: {  	_ =	shalt  }
0x47: {  	_ =	shalt  }
0x48: {  	_ =	shalt  }
0x49: {  	_ =	shalt  }
0x4a: {  	_ =	shalt  }
0x4b: {  	_ =	shalt  }
0x4c: {  	_ =	shalt  }
0x4d: {  	_ =	shalt  }
0x4e: {  	_ =	shalt  }
0x4f: {  	_ =	shalt  }
0x50: {  	_ =	shalt  }
0x51: {  	_ =	shalt  }
0x52: {  	_ =	shalt  }
0x53: {  	_ =	shalt  }
0x54: {  	_ =	shalt  }
0x55: {  	_ =	shalt  }
0x56: {  	_ =	shalt  }
0x57: {  	_ =	shalt  }
0x58: {  	_ =	shalt  }
0x59: {  	_ =	shalt  }
0x5a: {  	_ =	shalt  }
0x5b: {  	_ =	shalt  }
0x5c: {  	_ =	shalt  }
0x5d: {  	_ =	shalt  }
0x5e: {  	_ =	shalt  }
0x5f: {  	_ =	shalt  }
0x60: {  	_ =	shalt  }
0x61: {  	_ =	shalt  }
0x62: {  	_ =	shalt  }
0x63: {  	_ =	shalt  }
0x64: {  	_ =	shalt  }
0x65: {  	_ =	shalt  }
0x66: {  	_ =	shalt  }
0x67: {  	_ =	shalt  }
0x68: {  	_ =	shalt  }
0x69: {  	_ =	shalt  }
0x6a: {  	_ =	shalt  }
0x6b: {  	_ =	shalt  }
0x6c: {  	_ =	shalt  }
0x6d: {  	_ =	shalt  }
0x6e: {  	_ =	shalt  }
0x6f: {  	_ =	shalt  }
0x70: {  	_ =	shalt  }
0x71: {  	_ =	shalt  }
0x72: {  	_ =	shalt  }
0x73: {  	_ =	shalt  }
0x74: {  	_ =	shalt  }
0x75: {  	_ =	shalt  }
0x76: {  	_ =	shalt  }
0x77: {  	_ =	shalt  }
0x78: {  	_ =	shalt  }
0x79: {  	_ =	shalt  }
0x7a: {  	_ =	shalt  }
0x7b: {  	_ =	shalt  }
0x7c: {  	_ =	shalt  }
0x7d: {  	_ =	shalt  }
0x7e: {  	_ =	shalt  }
0x7f: {  	_ =	shalt  }
0x80: {  	_ =	shalt  }
0x81: {  	_ =	shalt  }
0x82: {  	_ =	shalt  }
0x83: {  	_ =	shalt  }
0x84: {  	_ =	shalt  }
0x85: {  	_ =	shalt  }
0x86: {  	_ =	shalt  }
0x87: {  	_ =	shalt  }
.Lfunc_end0:
.L_simem_size_0:
called_computation_lowered:
.L_overlay_start_0:
0x88: {  	s2 =	sld [smem:$0x3FD9]  }
0x89: {  	s3 =	sld [smem:$0x3FFE];
	_ =	sdelay $0x1  }
0x8a: {  	s1 =	srdreg.scid  }
0x8b: {  	s0 =	sand.u32 $0x1, s1  }
0x8c: {  	s17 =	sshll.u32 s0, $0xA;
	s2 =	sadd.s32 s3, s2  }
0x8d: {  	s2 =	sadd.s32 s2, s17  }
0x8e: {  	[smem:$0x3FC6] =	sst s2  }
0x8f: {  	_ = 	snop  }
0x90: {  	s2 =	sld [smem:$0x3FC9]  }
0x91: {  	s18 =	sld [smem:$0x3FC8];
	(tm) =	ssettm $0x1  }
0x92: {  	s4 =	sld [smem:$0x3FFB];
	_ =	sdelay $0x3  }
0x93: {  	_ =	strace s4  }
0x94: {  	s4 =	sld [smem:$0x3FFC];
	_ =	sdelay $0x3  }
0x95: {  	_ =	strace s4  }
0x96: {  	s4 =	sld [smem:$0x3FFD];
	_ =	sdelay $0x3  }
0x97: {  	_ =	strace s4  }
0x98: {  	_ =	strace $0x8FFFFFFF  }
0x99: {  	s19 =	sld [smem:$0x3FDB];
	_ =	sdelay $0x1  }
0x9a: {  	s5 =	simm.s32 $_scs_section_size  }
0x9b: {  	s6 =	simm.s32 $_size__tile_overlayer_lowered;
	s7 =	simm.s32 $_tile_overlayer_lowered  }
0x9c: {  	s22 =	simm.s32 $0x1BFF;
	s21 =	sshll.u32 s7, $0x1;
	s4 =	sadd.s32 s5, s19  }
0x9d: {  	s8 =	simm.s32 $0x0;
	s20 =	sshll.u32 s6, $0x1;
	s6 =	sadd.s32 s21, s4  }
0x9e: {  	[timem:s8], [sflag:s22] =	dma.local [hbm:s6], s20  }
0x9f: {  	_ =	swait.ge [sflag:s22], s20  }
0xa0: {  	s5 =	ssub.s32 $0x0, s20;
	[sflag:s22] =	ssyncset.done $0x0  }
0xa1: {  	[sflag:s22] =	ssyncadd.s32 s5;
	_ =	sdelay $0x1  }
0xa2: {  	s23 =	simm.s32 $0x1B8B  }
0xa3: {  	_ =	swait.ge [sflag:s23], $0x1  }
0xa4: {  	[sflag:s23] =	ssyncset.done $0x0  }
0xa5: {  	s25 =	simm.s32 $0x1B8E;
	s24 =	sld [smem:$0x3FFE];
	[sflag:s23] =	ssyncadd.s32 $0xFFFFFFFF  }
0xa6: {  	s26 =	simm.s32 $execute0_lowered;
	[smem:$0x3FD2] =	sst s25  }
0xa7: {  	s6 =	sshll.u32 s26, $0x1;
	_ =	strace $0x80000046;
	[dreg:$0x1] =	wrdreg $0xFFFFFFFF  }
0xa8: {  	s28 =	simm.s32 $_size_execute0_lowered;
	s4 =	sadd.s32 s4, s6;
	[dreg:$0x0] =	wrdreg $0x0  }
0xa9: {  	s6 =	sshll.u32 s28, $0x1;
	[dreg:$0x2] =	wrdreg s4  }
0xaa: {  	[dreg:$0x3] =	wrdreg s6  }
0xab: {  	[dreg:$0x4] =	wrdreg $0xC0  }
0xac: {  	_ =	task [dreg:s8], $0x5FFFF  }
0xad: {  	[dreg:$0x1] =	wrdreg $0xFFFFFFFF  }
0xae: {  	[dreg:$0x0] =	wrdreg $0x60  }
0xaf: {  	[dreg:$0x2] =	wrdreg s2  }
0xb0: {  	[dreg:$0x3] =	wrdreg s18  }
0xb1: {  	[dreg:$0x4] =	wrdreg s24  }
0xb2: {  	[dreg:$0x5] =	wrdreg $0x9  }
0xb3: {  	_ =	task.clear_ibuf [dreg:s8], $0x6FFFF;
	_ =	strace $0x90000046  }
0xb4: {  	s29 =	simm.s32 $0x9;
	_ =	strace $0x80000048  }
0xb5: {  	_ =	swait.ge [sflag:s29], $0x1  }
0xb6: {  	[sflag:s29] =	ssyncadd.s32 $0xFFFFFFFF  }
0xb7: {  	_ =	strace $0x90000048  }
0xb8: {  	_ =	sfence  }
0xb9: {  	s30 =	sld [smem:$0x0];
	_ =	sdelay $0x2  }
0xba: {  	s31 =	sshll.u32 s1, $0xD;
	s1 =	sshrl.u32 s1, $0x2  }
0xbb: {  	s3 =	sand.u32 $0x4000, s31;
	s1 =	sadd.s32 s1, s30  }
0xbc: {  	s0 =	sor.u32 s3, s0;
	s1 =	sshll.u32 s1, $0x11  }
0xbd: {  	s0 =	sor.u32 s1, s0  }
0xbe: {  	s0 =	sadd.s32 $0x8F2B, s0  }
0xbf: {  	[sflag:s0] =	ssyncadd.remote.s32 $0x1  }
0xc0: {  	_ =	sfence.sel $0xFFFF  }
0xc1: {  	[dreg:$0x0] =	wrdreg $0xFFFFFFFF;
	(pc) =	sbr.abs _section_cstart, $3  }
0xc2: {  	[dreg:$0x1] =	wrdreg $0xFFFFFFFF  }
0xc3: {  	_ =	task.clear_ibuf [dreg:s8], $0x2FFFF;
	_ =	strace $0x9FFFFFFF  }
0xc4: {  	(tm) =	ssettm $0x7FFFFFFF  }
0xc5: {  	_ =	shalt  }
tec
execute0_lowered:
.L_overlay_start_1:
0x0: {  	(tag) =	ssettag $0x1  }
0x1: {  	s0 =	rddreg [dreg:$0x0]  }
0x2: {  	s1 =	rddreg [dreg:$0x1]  }
0x3: {  	s6 =	rddreg [dreg:$0x2]  }
0x4: {  	s2 =	srdreg.scid;
	s5 =	stileid.u32;
	s24 =	simm.s32 $0x1  }
0x5: {  	s25 =	simm.s32 $0x2;
	s28 =	simm.s32 $0x0;
	s3 =	sand.u32 $0x1, s2  }
0x6: {  	s2 =	simm.s32 $0x0;
	s5 =	sshll.u32 s5, $0x1;
	s4 =	ssub.s32 $0x2, s3  }
0x7: {  	[smem:$0x7FF] =	sst s2;
	s5 =	sor.u32 s3, s5;
	s7 =	sshrl.u32 s4, $0x1  }
0x8: {  	_ =	strace $0x80000047;
	s3 =	sshll.u32 s5, $0x9;
	s31 =	sshll.u32 s5, $0x6  }
0x9: {  	s8 =	sshll.u32 s5, $0x4;
	s7 =	ssub.s32 s4, s7;
	s3 =	sadd.s32 s0, s3  }
0xa: {  	s5 =	sadd.s32 s1, s31;
	s6 =	sadd.s32 s6, s8;
	s1 =	simm.s32 $0x3  }
0xb: {  	s4 =	sadd.s32 $0x100, s3;
	s7 =	smax.u32 s7, $0x1;
	s8 =	sadd.s32 $0x4000, s3  }
0xc: {  	s9 =	sadd.s32 $0x8000, s3;
	s10 =	sadd.s32 $0xC000, s3;
	s11 =	sadd.s32 $0x10000, s3  }
0xd: {  	s12 =	sadd.s32 $0x14000, s3;
	s13 =	sadd.s32 $0x18000, s3;
	s14 =	sadd.s32 $0x1C000, s3  }
0xe: {  	s15 =	sadd.s32 $0x20000, s3;
	s16 =	sadd.s32 $0x4100, s3;
	s17 =	sadd.s32 $0x8100, s3  }
0xf: {  	s18 =	sadd.s32 $0xC100, s3;
	s19 =	sadd.s32 $0x10100, s3;
	s20 =	sadd.s32 $0x14100, s3  }
0x10: {  	v0 =	vlaneseq.u32;
	v1 =	vimm.s32 $0x0;
	s21 =	sadd.s32 $0x18100, s3;
	s22 =	sadd.s32 $0x1C100, s3;
	s23 =	sadd.s32 $0x20100, s3  }
.LBB2_1:
0x11: {  	[tilespmem:s2], [sflag:$0x1] =	stream.linear.gather [hbm4b:s3+s2], $0x800, $0x38;
	[tilespmem:$0x9280] =	vst v63  }
0x12: {  	s0 =	simm.s32 $0x1000  }
0x13: {  	[tilespmem:s0], [sflag:$0x1] =	stream.linear.gather [hbm4b:s8+s2], $0x800, $0x38;
	[tilespmem:$0x9280] =	vst v63  }
0x14: {  	s26 =	simm.s32 $0x2000  }
0x15: {  	[tilespmem:s26], [sflag:$0x1] =	stream.linear.gather [hbm4b:s9+s2], $0x800, $0x38;
	[tilespmem:$0x9280] =	vst v63  }
0x16: {  	s26 =	simm.s32 $0x3000  }
0x17: {  	[tilespmem:s26], [sflag:$0x1] =	stream.linear.gather [hbm4b:s10+s2], $0x800, $0x38;
	[tilespmem:$0x9280] =	vst v63  }
0x18: {  	s26 =	simm.s32 $0x4000  }
0x19: {  	[tilespmem:s26], [sflag:$0x1] =	stream.linear.gather [hbm4b:s11+s2], $0x800, $0x38;
	[tilespmem:$0x9280] =	vst v63  }
0x1a: {  	s26 =	simm.s32 $0x5000  }
0x1b: {  	[tilespmem:s26], [sflag:$0x1] =	stream.linear.gather [hbm4b:s12+s2], $0x800, $0x38;
	[tilespmem:$0x9280] =	vst v63  }
0x1c: {  	s26 =	simm.s32 $0x6000  }
0x1d: {  	[tilespmem:s26], [sflag:$0x1] =	stream.linear.gather [hbm4b:s13+s2], $0x800, $0x38;
	[tilespmem:$0x9280] =	vst v63  }
0x1e: {  	s26 =	simm.s32 $0x7000  }
0x1f: {  	[tilespmem:s26], [sflag:$0x1] =	stream.linear.gather [hbm4b:s14+s2], $0x800, $0x38;
	[tilespmem:$0x9280] =	vst v63  }
0x20: {  	s26 =	simm.s32 $0x8000  }
0x21: {  	[tilespmem:s26], [sflag:$0x1] =	stream.linear.gather [hbm4b:s15+s2], $0x800, $0x38;
	[tilespmem:$0x9280] =	vst v63  }
0x22: {  	s26 =	simm.s32 $0x800  }
0x23: {  	[tilespmem:s26], [sflag:$0x2] =	stream.linear.gather [hbm4b:s4+s2], $0x800, $0x38;
	[tilespmem:$0x9280] =	vst v63  }
0x24: {  	s26 =	simm.s32 $0x1800  }
0x25: {  	[tilespmem:s26], [sflag:$0x2] =	stream.linear.gather [hbm4b:s16+s2], $0x800, $0x38;
	[tilespmem:$0x9280] =	vst v63  }
0x26: {  	s26 =	simm.s32 $0x2800  }
0x27: {  	[tilespmem:s26], [sflag:$0x2] =	stream.linear.gather [hbm4b:s17+s2], $0x800, $0x38;
	[tilespmem:$0x9280] =	vst v63  }
0x28: {  	s26 =	simm.s32 $0x3800  }
0x29: {  	[tilespmem:s26], [sflag:$0x2] =	stream.linear.gather [hbm4b:s18+s2], $0x800, $0x38;
	[tilespmem:$0x9280] =	vst v63  }
0x2a: {  	s26 =	simm.s32 $0x4800  }
0x2b: {  	[tilespmem:s26], [sflag:$0x2] =	stream.linear.gather [hbm4b:s19+s2], $0x800, $0x38;
	[tilespmem:$0x9280] =	vst v63  }
0x2c: {  	s26 =	simm.s32 $0x5800  }
0x2d: {  	[tilespmem:s26], [sflag:$0x2] =	stream.linear.gather [hbm4b:s20+s2], $0x800, $0x38;
	[tilespmem:$0x9280] =	vst v63  }
0x2e: {  	s26 =	simm.s32 $0x6800  }
0x2f: {  	[tilespmem:s26], [sflag:$0x2] =	stream.linear.gather [hbm4b:s21+s2], $0x800, $0x38;
	[tilespmem:$0x9280] =	vst v63  }
0x30: {  	s26 =	simm.s32 $0x7800  }
0x31: {  	[tilespmem:s26], [sflag:$0x2] =	stream.linear.gather [hbm4b:s22+s2], $0x800, $0x38;
	[tilespmem:$0x9280] =	vst v63  }
0x32: {  	s26 =	simm.s32 $0x8800  }
0x33: {  	[tilespmem:s26], [sflag:$0x2] =	stream.linear.gather [hbm4b:s23+s2], $0x800, $0x38;
	[tilespmem:$0x9280] =	vst v63  }
0x34: {  	s26 =	simm.s32 $0x9000  }
0x35: {  	[tilespmem:s26], [sflag:$0x3] =	stream.linear.gather [hbm4b:s5+s2], $0x200, $0x38;
	[tilespmem:$0x9280] =	vst v63  }
0x36: {  	_ =	swait.ge [sflag:s1], $0x200  }
0x37: {  	[sflag:s1] =	ssyncset.done $0x0  }
0x38: {  	[sflag:s1] =	ssyncadd.s32 $0xFFFFFE00  }
0x39: {  	_ =	swait.ge [sflag:s24], $0x4800  }
0x3a: {  	[sflag:s24] =	ssyncset.done $0x0  }
0x3b: {  	[sflag:s24] =	ssyncadd.s32 $0xFFFFB800  }
0x3c: {  	v10 =	vld [tilespmem:s26+$0x0];
	_ =	sdelay $0x4  }
0x3d: {  	vm0 =	vgt.s32 v10, $0x0  }
0x3e: {  	v2 =	vnsel vm0, $0x1, v10  }
0x3f: {  	s29 =	sand.u32 $0x400, s2;
	s26 =	sand.u32 $0x70, s2;
	v6 =	vadd.s32 $0xFFFFFFFF, v2  }
0x40: {  	v3 =	vmov s2;
	s0 =	sor.u32 s26, s29;
	vm1 =	vgt.s32 v2, $0x8;
	v2 =	vshra.s32 v6, $0x3  }
0x41: {  	v3 =	vshll.u32 v3, $0x3;
	v7 =	vld [tilespmem:s0+$0x0];
	v5 =	vnsel vm1, $0x0, v2  }
0x42: {  	v4 =	vand.u32 $0x400, v3;
	v8 =	vld [tilespmem:s0+$0x80];
	v2 =	vor.u32 s2, v0;
	v9 =	vshll.u32 v5, $0xC  }
0x43: {  	v3 =	vand.u32 $0x7F, v2;
	v2 =	vld [tilespmem:s0+$0x100];
	v9 =	vor.u32 v4, v9  }
0x44: {  	v11 =	vld [tilespmem:s0+$0x180];
	v9 =	vor.u32 v3, v9  }
0x45: {  	v12 =	vld [tilespmem:s0+$0x200];
	v13 =	vor.u32 $0x80, v9  }
0x46: {  	s29 =	sor.u32 s2, s2;
	v14 =	vld [tilespmem:s0+$0x280];
	v7 =	vmul.f32 $1.442695020e+00, v7;
	v15 =	vor.u32 $0x100, v9  }
0x47: {  	v16 =	vld [tilespmem:s0+$0x300];
	s26 =	sor.u32 $0x380, s29;
	v8 =	vmul.f32 $1.442695020e+00, v8;
	v17 =	vor.u32 $0x180, v9  }
0x48: {  	(erf) = vpow2.f32 v7;
	v7 =	vld [tilespmem:s26+$0x0];
	v18 =	vor.u32 $0x200, v9;
	v2 =	vmul.f32 $1.442695020e+00, v2  }
0x49: {  	v11 =	vmul.f32 $1.442695020e+00, v11;
	(erf) = vpow2.f32 v8;
	v19 =	vor.u32 $0x280, v9;
	v8 =	vld.idx.msk [tilespmem:v9+s2+$0x0], $0xffff  }
0x4a: {  	(erf) = vpow2.f32 v2;
	v2 =	vmul.f32 $1.442695020e+00, v12;
	v12 =	vld.idx.msk [tilespmem:v13+s2+$0x0], $0xffff  }
0x4b: {  	v14 =	vmul.f32 $1.442695020e+00, v14;
	v13 =	vor.u32 $0x300, v9;
	(erf) = vpow2.f32 v11;
	v11 =	vld.idx.msk [tilespmem:v15+s2+$0x0], $0xffff  }
0x4c: {  	v9 =	vor.u32 $0x380, v9;
	v15 =	vmul.f32 $1.442695020e+00, v16;
	(erf) = vpow2.f32 v2;
	v2 =	vld.idx.msk [tilespmem:v17+s2+$0x0], $0xffff  }
0x4d: {  	v7 =	vmul.f32 $1.442695020e+00, v7;
	(erf) = vpow2.f32 v14;
	v14 =	vld.idx.msk [tilespmem:v18+s2+$0x0], $0xffff  }
0x4e: {  	(erf) = vpow2.f32 v15;
	v15 =	vld.idx.msk [tilespmem:v19+s2+$0x0], $0xffff;
	v8 =	vmul.f32 $1.442695020e+00, v8  }
0x4f: {  	(erf) = vpow2.f32 v7  }
0x50: {  	v7 =	vmul.f32 $1.442695020e+00, v12;
	v12 =	vld.idx.msk [tilespmem:v13+s2+$0x0], $0xffff;
	v11 =	vmul.f32 $1.442695020e+00, v11  }
0x51: {  	v9 =	vld.idx.msk [tilespmem:v9+s2+$0x0], $0xffff;
	(erf) = vpow2.f32 v8;
	v2 =	vmul.f32 $1.442695020e+00, v2  }
0x52: {  	v8 =	vpop (erf);
	(erf) = vpow2.f32 v7;
	v7 =	vmul.f32 $1.442695020e+00, v14  }
0x53: {  	v14 =	vmul.f32 $1.442695020e+00, v15;
	v13 =	vpop (erf);
	(erf) = vpow2.f32 v11  }
0x54: {  	v11 =	vpop (erf);
	(erf) = vpow2.f32 v2  }
0x55: {  	v2 =	vmul.f32 $1.442695020e+00, v12;
	v15 =	vpop (erf);
	(erf) = vpow2.f32 v7  }
0x56: {  	v7 =	vmul.f32 $1.442695020e+00, v9;
	v12 =	vpop (erf);
	(erf) = vpow2.f32 v14  }
0x57: {  	v14 =	vpop (erf);
	(erf) = vpow2.f32 v2  }
0x58: {  	v16 =	vpop (erf);
	(erf) = vpow2.f32 v7  }
0x59: {  	s29 =	simm.s32 $0x80;
	s0 =	simm.s32 $0x10;
	v17 =	vpop (erf)  }
0x5a: {  	s26 =	sand.u32 $0x400, s29;
	s31 =	sand.u32 $0x70, s0;
	v18 =	vpop (erf)  }
0x5b: {  	s26 =	sor.u32 s31, s26;
	v19 =	vpop (erf)  }
0x5c: {  	s30 =	simm.s32 $0x9010;
	v22 =	vmov s0;
	v11 =	vadd.f32 v15, v11;
	v15 =	vld [tilespmem:s26+$0x80];
	v20 =	vpop (erf)  }
0x5d: {  	vm4 =	vgt.s32 v10, $0x8;
	v22 =	vshll.u32 v22, $0x3;
	v7 =	vld [tilespmem:s30+$0x0];
	v21 =	vpop (erf)  }
0x5e: {  	vm0 =	vmmov vm0;
	v23 =	vld [tilespmem:s26+$0x0];
	v13 =	vadd.f32 v13, v8;
	v9 =	vor.u32 s0, v0;
	v24 =	vpop (erf)  }
0x5f: {  	v8 =	vand.u32 $0x7F, v9;
	v9 =	vand.u32 $0x400, v22;
	v12 =	vadd.f32 v14, v12;
	v14 =	vld [tilespmem:s26+$0x100];
	v25 =	vpop (erf)  }
0x60: {  	v2 =	vimm.f32 $0.0e+00;
	v10 =	vadd.f32 v11, v13;
	v11 =	vadd.f32 v17, v16;
	v22 =	vpop (erf)  }
0x61: {  	v15 =	vmul.f32 $1.442695020e+00, v15;
	v16 =	vadd.f32 v19, v18;
	v17 =	vadd.f32 v21, v20;
	v18 =	vpop (erf)  }
0x62: {  	v13 =	vld [tilespmem:s26+$0x180];
	vm1 =	vgt.s32 v7, $0x0;
	v20 =	vadd.f32 v25, v24;
	v18 =	vadd.f32 v18, v22  }
0x63: {  	v11 =	vadd.f32 v11, v12;
	v19 =	vnsel vm1, $0x1, v7;
	v21 =	vmul.f32 $1.442695020e+00, v23  }
0x64: {  	v24 =	vmul.f32 $1.442695020e+00, v14;
	v14 =	vadd.f32 v17, v16;
	v16 =	vadd.f32 v18, v20  }
0x65: {  	v11 =	vadd.f32 v11, v10;
	vm2 =	vgt.s32 v19, $0x8;
	(erf) = vpow2.f32 v21  }
0x66: {  	v12 =	vadd.s32 $0xFFFFFFFF, v19;
	(erf) = vpow2.f32 v15;
	v10 =	vadd.f32 v16, v14  }
0x67: {  	(erf) = vpow2.f32 v24;
	v18 =	vmul.f32 $1.442695020e+00, v13;
	v14 =	vand.u32 $0x7FFFFF, v11  }
0x68: {  	v13 =	vshra.s32 v12, $0x3;
	v14 =	vor.u32 $0x3F800000, v14;
	v15 =	vand.u32 $0x7FFFFF, v10  }
0x69: {  	v20 =	vld [tilespmem:s26+$0x200];
	v13 =	vnsel vm2, $0x0, v13;
	v21 =	vor.u32 $0x3F800000, v15;
	v15 =	vmul.f32 $5.000000000e-01, v14  }
0x6a: {  	v16 =	vshll.u32 v13, $0xC;
	vm3 =	vgt.f32 v14, $1.414213540e+00;
	v23 =	vmul.f32 $5.000000000e-01, v21  }
0x6b: {  	s0 =	sor.u32 s29, s0;
	v17 =	vor.u32 v9, v16;
	v16 =	vld [tilespmem:s26+$0x280];
	vm2 =	vgt.f32 v21, $1.414213540e+00;
	v15 =	vsel vm3, v15, v14  }
0x6c: {  	s0 =	sor.u32 $0x380, s0;
	v19 =	vor.u32 v8, v17;
	v17 =	vld [tilespmem:s26+$0x300];
	v14 =	vsel vm2, v23, v21;
	v25 =	vadd.f32 $1.000000000e+00, v15  }
0x6d: {  	s31 =	simm.s32 $0x20;
	v22 =	vor.u32 $0x80, v19;
	v21 =	vld [tilespmem:s0+$0x0];
	v23 =	vor.u32 $0x100, v19;
	v24 =	vadd.f32 $1.000000000e+00, v14  }
.LBB2_2:
0x6e: {  	v26 =	vor.u32 $0x180, v19;
	v20 =	vmul.f32 $1.442695020e+00, v20;
	(erf) = vrcp.f32 v25  }
0x6f: {  	p0 =	sne.s32 s31, $0xF0;
	vm5 =	vmmov vm4;
	vm6 =	vmmov vm0;
	vm0 =	vmmov vm1  }
0x70: {  	v25 =	vor.u32 $0x200, v19;
	v27 =	vmul.f32 $1.442695020e+00, v16;
	v16 =	vpop (erf);
	(erf) = vrcp.f32 v24  }
0x71: {  	v28 =	vor.u32 $0x280, v19;
	v24 =	vld.idx.msk [tilespmem:v19+s2+$0x0], $0xffff;
	v29 =	vmul.f32 $1.442695020e+00, v17;
	v17 =	vpop (erf);
	(erf) = vpow2.f32 v18  }
0x72: {  	v18 =	vld.idx.msk [tilespmem:v22+s2+$0x0], $0xffff;
	v21 =	vmul.f32 $1.442695020e+00, v21;
	(erf) = vpow2.f32 v20;
	v20 =	vshll.u32 v6, $0x9  }
0x73: {  	v22 =	vld.idx.msk [tilespmem:v23+s2+$0x0], $0xffff;
	(erf) = vpow2.f32 v27;
	v20 =	vand.u32 $0xFFFFF000, v20;
	v23 =	vshll.u32 v6, $0x7;
	v6 =	vmovc v12  }
0x74: {  	v12 =	vld.idx.msk [tilespmem:v26+s2+$0x0], $0xffff;
	v26 =	vor.u32 $0x300, v19;
	(erf) = vpow2.f32 v29;
	v23 =	vand.u32 $0x380, v23  }
0x75: {  	v27 =	vadd.s32 $0xFFFFFFFF, v5;
	v5 =	vmovc v13;
	v19 =	vor.u32 $0x380, v19;
	v25 =	vld.idx.msk [tilespmem:v25+s2+$0x0], $0xffff;
	v20 =	vor.u32 v20, v23  }
0x76: {  	v13 =	vld.idx.msk [tilespmem:v28+s2+$0x0], $0xffff;
	(erf) = vpow2.f32 v21;
	v20 =	vor.u32 v4, v20;
	v21 =	vnsel vm5, $0x0, v27  }
0x77: {  	v15 =	vadd.f32 $-1.000000000e+00, v15;
	v23 =	vpop (erf);
	v20 =	vor.u32 v3, v20;
	v27 =	vshll.u32 v21, $0x9  }
0x78: {  	v14 =	vadd.f32 $-1.000000000e+00, v14;
	v24 =	vmul.f32 $1.442695020e+00, v24;
	v18 =	vmul.f32 $1.442695020e+00, v18;
	v28 =	vpop (erf)  }
0x79: {  	v21 =	vshll.u32 v21, $0x7;
	v22 =	vmul.f32 $1.442695020e+00, v22;
	v26 =	vld.idx.msk [tilespmem:v26+s2+$0x0], $0xffff;
	v15 =	vmul.f32 v28, v15;
	v28 =	vpop (erf)  }
0x7a: {  	v27 =	vand.u32 $0xFFFFF000, v27;
	v12 =	vmul.f32 $1.442695020e+00, v12;
	v19 =	vld.idx.msk [tilespmem:v19+s2+$0x0], $0xffff;
	v29 =	vpop (erf);
	v14 =	vmul.f32 v28, v14  }
0x7b: {  	v21 =	vand.u32 $0x380, v21;
	v25 =	vmul.f32 $1.442695020e+00, v25;
	v28 =	vpop (erf);
	v30 =	vmul.f32 v15, v15  }
0x7c: {  	v21 =	vor.u32 v27, v21;
	v13 =	vmul.f32 $1.442695020e+00, v13;
	v31 =	vpop (erf);
	v32 =	vmul.f32 v14, v14  }
0x7d: {  	v33 =	vor.u32 v4, v21;
	(erf) = vpow2.f32 v24;
	v24 =	vpop (erf);
	v27 =	vmul.f32 $1.428571490e-01, v30  }
0x7e: {  	v4 =	vmovc v9;
	v21 =	vor.u32 v3, v33;
	v3 =	vmovc v8;
	(erf) = vpow2.f32 v18;
	v18 =	vmul.f32 $1.428571490e-01, v32  }
0x7f: {  	v8 =	vmul.f32 $1.442695020e+00, v26;
	(erf) = vpow2.f32 v22;
	v22 =	vpop (erf);
	v9 =	vadd.f32 $2.000000030e-01, v27  }
0x80: {  	v19 =	vmul.f32 $1.442695020e+00, v19;
	(erf) = vpow2.f32 v12;
	v12 =	vadd.f32 $2.000000030e-01, v18  }
0x81: {  	v11 =	vshra.s32 v11, $0x17;
	(erf) = vpow2.f32 v25;
	v9 =	vmul.f32 v9, v30  }
0x82: {  	(erf) = vpow2.f32 v13;
	v12 =	vmul.f32 v12, v32;
	v13 =	vsel vm3, $0x1, v1  }
0x83: {  	(erf) = vpow2.f32 v8;
	v8 =	vadd.s32 v13, v11;
	v9 =	vadd.f32 $3.333333430e-01, v9  }
0x84: {  	v10 =	vshra.s32 v10, $0x17;
	v13 =	vsel vm2, $0x1, v1;
	v12 =	vadd.f32 $3.333333430e-01, v12  }
0x85: {  	v10 =	vadd.s32 v13, v10;
	v8 =	vadd.s32 $0xFFFFFF81, v8;
	v9 =	vmul.f32 v9, v30  }
0x86: {  	v10 =	vadd.s32 $0xFFFFFF81, v10;
	v8 =	vcvt.s32.f32 v8;
	v11 =	vpop (erf);
	v12 =	vmul.f32 v12, v32  }
0x87: {  	v15 =	vadd.f32 v15, v15;
	v10 =	vcvt.s32.f32 v10;
	v13 =	vpop (erf);
	v18 =	vld.idx.msk [tilespmem:v20+s2+$0x0], $0xffff;
	v9 =	vadd.f32 $1.000000000e+00, v9  }
0x88: {  	v14 =	vadd.f32 v14, v14;
	v20 =	vpop (erf);
	(erf) = vpow2.f32 v19;
	v12 =	vadd.f32 $1.000000000e+00, v12;
	v19 =	vld.idx.msk [tilespmem:v21+s2+$0x0], $0xffff  }
0x89: {  	s30 =	sadd.s32 $0x10, s30;
	v25 =	vmul.f32 $6.931471820e-01, v8;
	v10 =	vmul.f32 $6.931471820e-01, v10;
	v21 =	vpop (erf)  }
0x8a: {  	s29 =	sadd.s32 $0x80, s29;
	v8 =	vor.u32 s31, v0;
	v9 =	vmul.f32 v9, v15;
	v26 =	vld [tilespmem:s30+$0x0];
	v27 =	vpop (erf);
	v12 =	vmul.f32 v12, v14  }
0x8b: {  	s0 =	sand.u32 $0x70, s31;
	s26 =	sand.u32 $0x400, s29;
	v8 =	vand.u32 $0x7F, v8;
	v15 =	vadd.f32 v17, v16;
	v14 =	vmov s31;
	v16 =	vpop (erf)  }
0x8c: {  	s0 =	sor.u32 s0, s26;
	v14 =	vshll.u32 v14, $0x3;
	v17 =	vpop (erf);
	v10 =	vadd.f32 v12, v10;
	v12 =	vadd.f32 v9, v25  }
0x8d: {  	v23 =	vadd.f32 v29, v23;
	v9 =	vand.u32 $0x400, v14;
	v25 =	vadd.f32 v31, v28;
	v14 =	vld [tilespmem:s0+$0x0]  }
0x8e: {  	vm4 =	vgt.s32 v7, $0x8;
	v28 =	vld [tilespmem:s0+$0x80];
	v10 =	vsub.f32 v10, v18;
	v12 =	vsub.f32 v12, v19  }
0x8f: {  	v15 =	vadd.f32 v23, v15;
	v19 =	vadd.f32 v22, v24;
	vm1 =	vgt.s32 v26, $0x0;
	v18 =	vld [tilespmem:s0+$0x100];
	v7 =	vmovc v26  }
0x90: {  	v11 =	vadd.f32 v13, v11;
	v22 =	vld [tilespmem:s0+$0x180];
	v10 =	vnsel vm6, $0x0, v10;
	v12 =	vnsel vm5, $0x0, v12  }
0x91: {  	v20 =	vadd.f32 v21, v20;
	v13 =	vnsel vm1, $0x1, v7;
	v21 =	vpop (erf);
	v10 =	vadd.f32 v12, v10  }
0x92: {  	v12 =	vadd.f32 v16, v27;
	v14 =	vmul.f32 $1.442695020e+00, v14;
	v16 =	vadd.f32 v21, v17  }
0x93: {  	v19 =	vadd.f32 v19, v25;
	v17 =	vmul.f32 $1.442695020e+00, v28;
	v2 =	vadd.f32 v10, v2  }
0x94: {  	v10 =	vadd.f32 v20, v11;
	v24 =	vmul.f32 $1.442695020e+00, v18;
	v16 =	vadd.f32 v16, v12  }
0x95: {  	vm2 =	vgt.s32 v13, $0x8;
	v11 =	vadd.f32 v19, v15;
	v18 =	vmul.f32 $1.442695020e+00, v22  }
0x96: {  	v12 =	vadd.s32 $0xFFFFFFFF, v13;
	(erf) = vpow2.f32 v14;
	v10 =	vadd.f32 v16, v10  }
0x97: {  	v13 =	vshra.s32 v12, $0x3;
	v14 =	vand.u32 $0x7FFFFF, v11;
	(erf) = vpow2.f32 v17  }
0x98: {  	v13 =	vnsel vm2, $0x0, v13;
	v14 =	vor.u32 $0x3F800000, v14;
	v15 =	vand.u32 $0x7FFFFF, v10  }
.Ltmp0:
0x99: {  	v16 =	vshll.u32 v13, $0xC;
	v20 =	vld [tilespmem:s0+$0x200];
	v23 =	vor.u32 $0x3F800000, v15;
	v15 =	vmul.f32 $5.000000000e-01, v14;
	(pc) =	sbr.rel @p0 .LBB2_2-.Ltmp0, $4  }
0x9a: {  	s26 =	sor.u32 s29, s31;
	v17 =	vor.u32 v9, v16;
	vm3 =	vgt.f32 v14, $1.414213540e+00;
	v16 =	vld [tilespmem:s0+$0x280];
	v25 =	vmul.f32 $5.000000000e-01, v23  }
0x9b: {  	v19 =	vor.u32 v8, v17;
	vm2 =	vgt.f32 v23, $1.414213540e+00;
	v17 =	vld [tilespmem:s0+$0x300];
	s0 =	sor.u32 $0x380, s26;
	v15 =	vsel vm3, v15, v14  }
0x9c: {  	v22 =	vor.u32 $0x80, v19;
	v21 =	vld [tilespmem:s0+$0x0];
	v14 =	vsel vm2, v25, v23;
	v25 =	vadd.f32 $1.000000000e+00, v15  }
0x9d: {  	s31 =	sadd.s32 $0x10, s31;
	v23 =	vor.u32 $0x100, v19;
	(erf) = vpow2.f32 v24;
	v24 =	vadd.f32 $1.000000000e+00, v14  }
0x9e: {  	_ =	sdelay $0x1  }
0x9f: {  	v26 =	vor.u32 $0x180, v19  }
0xa0: {  	v27 =	vor.u32 $0x200, v19  }
0xa1: {  	(erf) = vrcp.f32 v25;
	v25 =	vld.idx.msk [tilespmem:v19+s2+$0x0], $0xffff;
	v28 =	vor.u32 $0x280, v19  }
0xa2: {  	v20 =	vmul.f32 $1.442695020e+00, v20;
	v22 =	vld.idx.msk [tilespmem:v22+s2+$0x0], $0xffff;
	(erf) = vrcp.f32 v24;
	v24 =	vor.u32 $0x300, v19  }
0xa3: {  	v16 =	vmul.f32 $1.442695020e+00, v16;
	v19 =	vor.u32 $0x380, v19;
	(erf) = vpow2.f32 v18;
	v18 =	vld.idx.msk [tilespmem:v23+s2+$0x0], $0xffff  }
0xa4: {  	v17 =	vmul.f32 $1.442695020e+00, v17;
	(erf) = vpow2.f32 v20;
	v20 =	vld.idx.msk [tilespmem:v26+s2+$0x0], $0xffff  }
0xa5: {  	v21 =	vmul.f32 $1.442695020e+00, v21;
	(erf) = vpow2.f32 v16;
	v16 =	vld.idx.msk [tilespmem:v27+s2+$0x0], $0xffff  }
0xa6: {  	(erf) = vpow2.f32 v17;
	v17 =	vld.idx.msk [tilespmem:v28+s2+$0x0], $0xffff;
	v23 =	vmul.f32 $1.442695020e+00, v25  }
0xa7: {  	v25 =	vpop (erf);
	(erf) = vpow2.f32 v21;
	v21 =	vmul.f32 $1.442695020e+00, v22;
	v22 =	vld.idx.msk [tilespmem:v24+s2+$0x0], $0xffff  }
0xa8: {  	v19 =	vld.idx.msk [tilespmem:v19+s2+$0x0], $0xffff;
	v18 =	vmul.f32 $1.442695020e+00, v18  }
0xa9: {  	v24 =	vpop (erf);
	(erf) = vpow2.f32 v23;
	v20 =	vmul.f32 $1.442695020e+00, v20  }
0xaa: {  	v23 =	vpop (erf);
	(erf) = vpow2.f32 v21;
	v16 =	vmul.f32 $1.442695020e+00, v16  }
0xab: {  	v21 =	vpop (erf);
	(erf) = vpow2.f32 v18;
	v17 =	vmul.f32 $1.442695020e+00, v17  }
0xac: {  	v18 =	vpop (erf);
	v22 =	vmul.f32 $1.442695020e+00, v22;
	(erf) = vpow2.f32 v20  }
0xad: {  	v19 =	vmul.f32 $1.442695020e+00, v19;
	v20 =	vpop (erf);
	(erf) = vpow2.f32 v16  }
0xae: {  	v16 =	vpop (erf);
	(erf) = vpow2.f32 v17  }
0xaf: {  	v17 =	vpop (erf);
	(erf) = vpow2.f32 v22  }
0xb0: {  	v22 =	vpop (erf);
	(erf) = vpow2.f32 v19  }
0xb1: {  	v19 =	vpop (erf)  }
0xb2: {  	v26 =	vpop (erf)  }
0xb3: {  	v27 =	vpop (erf)  }
0xb4: {  	v58 =	vpop (erf)  }
0xb5: {  	v29 =	vpop (erf)  }
0xb6: {  	v15 =	vadd.f32 $-1.000000000e+00, v15;
	v14 =	vadd.f32 $-1.000000000e+00, v14;
	v31 =	vpop (erf)  }
0xb7: {  	vm4 =	vmmov vm4;
	v24 =	vadd.f32 v24, v25;
	v20 =	vadd.f32 v20, v23;
	v25 =	vpop (erf)  }
0xb8: {  	v30 =	vshll.u32 v6, $0x9;
	v16 =	vadd.f32 v17, v16;
	v17 =	vadd.f32 v19, v22;
	v23 =	vpop (erf)  }
0xb9: {  	v6 =	vshll.u32 v6, $0x7;
	v19 =	vadd.f32 v27, v26;
	v22 =	vadd.f32 v29, v58;
	v26 =	vpop (erf)  }
0xba: {  	v5 =	vadd.s32 $0xFFFFFFFF, v5;
	v25 =	vadd.f32 v25, v31;
	v23 =	vadd.f32 v26, v23  }
0xbb: {  	vm5 =	vgt.s32 v7, $0x8;
	v20 =	vadd.f32 v20, v24;
	v16 =	vadd.f32 v17, v16  }
0xbc: {  	v30 =	vand.u32 $0xFFFFF000, v30;
	v17 =	vadd.f32 v22, v19;
	v19 =	vadd.f32 v23, v25  }
0xbd: {  	v6 =	vand.u32 $0x380, v6;
	v5 =	vnsel vm4, $0x0, v5;
	v16 =	vadd.f32 v16, v20  }
0xbe: {  	vm5 =	vmmov vm5;
	v6 =	vor.u32 v30, v6;
	v17 =	vadd.f32 v19, v17  }
0xbf: {  	v6 =	vor.u32 v4, v6;
	v15 =	vmul.f32 v21, v15;
	v19 =	vand.u32 $0x7FFFFF, v16  }
0xc0: {  	v14 =	vmul.f32 v18, v14;
	v19 =	vor.u32 $0x3F800000, v19;
	v21 =	vand.u32 $0x7FFFFF, v17  }
0xc1: {  	v20 =	vshll.u32 v5, $0x9;
	v18 =	vor.u32 $0x3F800000, v21;
	v21 =	vmul.f32 $5.000000000e-01, v19  }
0xc2: {  	v5 =	vshll.u32 v5, $0x7;
	vm7 =	vgt.f32 v19, $1.414213540e+00;
	v22 =	vmul.f32 $5.000000000e-01, v18  }
0xc3: {  	v20 =	vand.u32 $0xFFFFF000, v20;
	vm6 =	vgt.f32 v18, $1.414213540e+00;
	v19 =	vsel vm7, v21, v19  }
0xc4: {  	v5 =	vand.u32 $0x380, v5;
	v18 =	vsel vm6, v22, v18;
	v21 =	vadd.f32 $1.000000000e+00, v19  }
0xc5: {  	v6 =	vor.u32 v3, v6;
	v5 =	vor.u32 v20, v5;
	v7 =	vadd.f32 $1.000000000e+00, v18  }
0xc6: {  	v4 =	vor.u32 v4, v5;
	v5 =	vshll.u32 v12, $0x9;
	(erf) = vrcp.f32 v21  }
0xc7: {  	v12 =	vshll.u32 v12, $0x7;
	(erf) = vrcp.f32 v7;
	v7 =	vadd.s32 $0xFFFFFFFF, v13  }
0xc8: {  	v5 =	vand.u32 $0xFFFFF000, v5;
	v12 =	vand.u32 $0x380, v12;
	v7 =	vnsel vm5, $0x0, v7  }
0xc9: {  	v3 =	vor.u32 v3, v4;
	v13 =	vshll.u32 v7, $0x9;
	v7 =	vshll.u32 v7, $0x7  }
0xca: {  	v5 =	vor.u32 v5, v12;
	v12 =	vand.u32 $0xFFFFF000, v13;
	v7 =	vand.u32 $0x380, v7  }
0xcb: {  	v23 =	vmul.f32 v15, v15;
	v4 =	vor.u32 v9, v5;
	v5 =	vor.u32 v12, v7  }
0xcc: {  	v4 =	vor.u32 v8, v4;
	v13 =	vmul.f32 v14, v14;
	v5 =	vor.u32 v9, v5  }
0xcd: {  	v7 =	vmul.f32 $1.428571490e-01, v23;
	v5 =	vor.u32 v8, v5  }
0xce: {  	v8 =	vmul.f32 $1.428571490e-01, v13  }
0xcf: {  	v12 =	vld.idx.msk [tilespmem:v6+s2+$0x0], $0xffff;
	v7 =	vadd.f32 $2.000000030e-01, v7  }
0xd0: {  	v11 =	vshra.s32 v11, $0x17;
	v10 =	vshra.s32 v10, $0x17;
	v9 =	vld.idx.msk [tilespmem:v3+s2+$0x0], $0xffff;
	v6 =	vadd.f32 $2.000000030e-01, v8;
	v21 =	vpop (erf)  }
0xd1: {  	v18 =	vadd.f32 $-1.000000000e+00, v18;
	v3 =	vsel vm3, $0x1, v1;
	v20 =	vmul.f32 v7, v23;
	v7 =	vld.idx.msk [tilespmem:v4+s2+$0x0], $0xffff;
	v22 =	vpop (erf)  }
0xd2: {  	v3 =	vadd.s32 v3, v11;
	v4 =	vsel vm2, $0x1, v1;
	v6 =	vmul.f32 v6, v13;
	v8 =	vld.idx.msk [tilespmem:v5+s2+$0x0], $0xffff;
	_ =	swait.ge [sflag:s25], $0x4800  }
0xd3: {  	v11 =	vadd.f32 $-1.000000000e+00, v19;
	v3 =	vadd.s32 $0xFFFFFF81, v3;
	v4 =	vadd.s32 v4, v10;
	[sflag:s25] =	ssyncset.done $0x0  }
0xd4: {  	s0 =	simm.s32 $0x9100;
	v3 =	vcvt.s32.f32 v3;
	v4 =	vadd.s32 $0xFFFFFF81, v4;
	v6 =	vadd.f32 $3.333333430e-01, v6;
	[sflag:s25] =	ssyncadd.s32 $0xFFFFB800  }
0xd5: {  	v11 =	vmul.f32 v21, v11;
	v5 =	vadd.f32 $3.333333430e-01, v20;
	v4 =	vcvt.s32.f32 v4;
	v10 =	vld [tilespmem:s0+$0x0]  }
0xd6: {  	v6 =	vmul.f32 v6, v13;
	v13 =	vmul.f32 v22, v18  }
0xd7: {  	v15 =	vadd.f32 v15, v15;
	v5 =	vmul.f32 v5, v23;
	v21 =	vmul.f32 $6.931471820e-01, v4  }
0xd8: {  	v25 =	vsel vm6, $0x1, v1;
	v23 =	vmul.f32 $6.931471820e-01, v3;
	v19 =	vmul.f32 v13, v13  }
0xd9: {  	v18 =	vmul.f32 v11, v11;
	v20 =	vadd.f32 $1.000000000e+00, v5;
	v5 =	vadd.f32 v14, v14  }
0xda: {  	v6 =	vadd.f32 $1.000000000e+00, v6;
	v4 =	vmul.f32 $1.428571490e-01, v19;
	vm2 =	vgt.s32 v10, $0x0  }
0xdb: {  	v22 =	vsel vm7, $0x1, v1;
	v14 =	vmul.f32 $1.428571490e-01, v18;
	v3 =	vnsel vm2, $0x1, v10  }
0xdc: {  	v24 =	vmul.f32 v6, v5;
	v4 =	vadd.f32 $2.000000030e-01, v4;
	v6 =	vadd.s32 $0xFFFFFFFF, v3  }
0xdd: {  	s26 =	simm.s32 $0x800;
	s0 =	simm.s32 $0x100;
	v14 =	vadd.f32 $2.000000030e-01, v14;
	vm3 =	vgt.s32 v3, $0x8;
	v3 =	vshra.s32 v6, $0x3  }
0xde: {  	s30 =	sand.u32 $0xC00, s26;
	v11 =	vadd.f32 v11, v11;
	s29 =	sand.u32 $0x70, s0;
	v5 =	vnsel vm3, $0x0, v3;
	v3 =	vmul.f32 v4, v19  }
0xdf: {  	s29 =	sor.u32 s29, s30;
	v13 =	vadd.f32 v13, v13;
	v15 =	vmul.f32 v20, v15;
	v14 =	vmul.f32 v14, v18  }
0xe0: {  	v20 =	vor.u32 s0, v0;
	v26 =	vld [tilespmem:s29+$0x180];
	v4 =	vshra.s32 v16, $0x17;
	v3 =	vadd.f32 $3.333333430e-01, v3  }
0xe1: {  	v14 =	vadd.f32 $3.333333430e-01, v14;
	v16 =	vshra.s32 v17, $0x17;
	v4 =	vadd.s32 v22, v4  }
0xe2: {  	v16 =	vadd.s32 v25, v16;
	v17 =	vmul.f32 v3, v19;
	v3 =	vmov s0  }
0xe3: {  	v14 =	vmul.f32 v14, v18;
	v4 =	vadd.s32 $0xFFFFFF81, v4;
	v19 =	vld [tilespmem:s29+$0x0];
	v3 =	vshll.u32 v3, $0x3  }
0xe4: {  	v22 =	vld [tilespmem:s29+$0x80];
	v25 =	vshll.u32 v5, $0xC;
	v18 =	vcvt.s32.f32 v4;
	v4 =	vand.u32 $0xC00, v3  }
0xe5: {  	v26 =	vmul.f32 $1.442695020e+00, v26;
	v3 =	vand.u32 $0x7F, v20;
	v20 =	vld [tilespmem:s29+$0x100];
	v25 =	vor.u32 v4, v25  }
0xe6: {  	v16 =	vadd.s32 $0xFFFFFF81, v16;
	v17 =	vadd.f32 $1.000000000e+00, v17;
	v25 =	vor.u32 v3, v25  }
0xe7: {  	v27 =	vld [tilespmem:s29+$0x200];
	v16 =	vcvt.s32.f32 v16;
	v14 =	vadd.f32 $1.000000000e+00, v14;
	v59 =	vor.u32 $0x80, v25  }
0xe8: {  	s0 =	sor.u32 s26, s0;
	v13 =	vmul.f32 v17, v13;
	v17 =	vmul.f32 $1.442695020e+00, v19;
	v19 =	vld [tilespmem:s29+$0x280];
	v60 =	vor.u32 $0x100, v25  }
0xe9: {  	v11 =	vmul.f32 v14, v11;
	s0 =	sor.u32 $0x380, s0;
	v14 =	vmul.f32 $1.442695020e+00, v22;
	v22 =	vld [tilespmem:s29+$0x300];
	v61 =	vor.u32 $0x180, v25  }
0xea: {  	v62 =	vor.u32 $0x200, v25;
	v20 =	vmul.f32 $1.442695020e+00, v20;
	(erf) = vpow2.f32 v17;
	v17 =	vld [tilespmem:s0+$0x0]  }
0xeb: {  	v15 =	vadd.f32 v15, v23;
	v16 =	vmul.f32 $6.931471820e-01, v16;
	(erf) = vpow2.f32 v14;
	v14 =	vld.idx.msk [tilespmem:v25+s2+$0x0], $0xffff  }
0xec: {  	v32 =	vor.u32 $0x280, v25;
	(erf) = vpow2.f32 v20;
	v20 =	vmul.f32 $1.442695020e+00, v27;
	v27 =	vld.idx.msk [tilespmem:v59+s2+$0x0], $0xffff  }
0xed: {  	v63 =	vor.u32 $0x300, v25;
	v19 =	vmul.f32 $1.442695020e+00, v19;
	(erf) = vpow2.f32 v26;
	v26 =	vld.idx.msk [tilespmem:v60+s2+$0x0], $0xffff  }
0xee: {  	v22 =	vmul.f32 $1.442695020e+00, v22;
	v25 =	vor.u32 $0x380, v25;
	(erf) = vpow2.f32 v20;
	v20 =	vld.idx.msk [tilespmem:v61+s2+$0x0], $0xffff  }
0xef: {  	v21 =	vadd.f32 v24, v21;
	v17 =	vmul.f32 $1.442695020e+00, v17;
	(erf) = vpow2.f32 v19;
	v19 =	vld.idx.msk [tilespmem:v62+s2+$0x0], $0xffff  }
0xf0: {  	v9 =	vsub.f32 v15, v9;
	(erf) = vpow2.f32 v22;
	v14 =	vmul.f32 $1.442695020e+00, v14  }
0xf1: {  	v12 =	vsub.f32 v21, v12;
	v22 =	vld.idx.msk [tilespmem:v32+s2+$0x0], $0xffff;
	(erf) = vpow2.f32 v17;
	v17 =	vmul.f32 $1.442695020e+00, v27  }
0xf2: {  	vm3 =	vmmov vm0;
	v18 =	vmul.f32 $6.931471820e-01, v18;
	v23 =	vld.idx.msk [tilespmem:v63+s2+$0x0], $0xffff;
	v21 =	vmul.f32 $1.442695020e+00, v26  }
0xf3: {  	vm0 =	vmmov vm1;
	v24 =	vld.idx.msk [tilespmem:v25+s2+$0x0], $0xffff;
	(erf) = vpow2.f32 v14;
	v15 =	vmul.f32 $1.442695020e+00, v20  }
0xf4: {  	v9 =	vnsel vm4, $0x0, v9;
	v19 =	vmul.f32 $1.442695020e+00, v19;
	v14 =	vpop (erf);
	(erf) = vpow2.f32 v17  }
0xf5: {  	v12 =	vnsel vm3, $0x0, v12;
	v11 =	vadd.f32 v11, v18;
	v17 =	vpop (erf);
	(erf) = vpow2.f32 v21  }
0xf6: {  	v13 =	vadd.f32 v13, v16;
	v20 =	vmul.f32 $1.442695020e+00, v22;
	v16 =	vpop (erf);
	(erf) = vpow2.f32 v15  }
0xf7: {  	v8 =	vsub.f32 v11, v8;
	v18 =	vmul.f32 $1.442695020e+00, v23;
	v15 =	vpop (erf);
	(erf) = vpow2.f32 v19  }
0xf8: {  	v7 =	vsub.f32 v13, v7;
	v21 =	vmul.f32 $1.442695020e+00, v24;
	v19 =	vpop (erf);
	(erf) = vpow2.f32 v20  }
0xf9: {  	vm0 =	vmmov vm0;
	v9 =	vadd.f32 v9, v12;
	v11 =	vpop (erf);
	(erf) = vpow2.f32 v18  }
0xfa: {  	v8 =	vnsel vm5, $0x0, v8;
	v7 =	vnsel vm0, $0x0, v7;
	v12 =	vpop (erf);
	(erf) = vpow2.f32 v21  }
0xfb: {  	v2 =	vadd.f32 v9, v2;
	s29 =	simm.s32 $0x880;
	s0 =	simm.s32 $0x110;
	v7 =	vadd.f32 v8, v7;
	v13 =	vpop (erf)  }
0xfc: {  	s30 =	simm.s32 $0x9110;
	s31 =	sand.u32 $0xC00, s29;
	s26 =	sand.u32 $0x70, s0;
	v18 =	vpop (erf)  }
0xfd: {  	s26 =	sor.u32 s26, s31;
	v2 =	vadd.f32 v7, v2;
	v7 =	vld [tilespmem:s30+$0x0];
	v20 =	vpop (erf)  }
0xfe: {  	v23 =	vld [tilespmem:s26+$0x0];
	v21 =	vpop (erf)  }
0xff: {  	vm4 =	vgt.s32 v10, $0x8;
	v9 =	vmov s0;
	v15 =	vadd.f32 v15, v16;
	v16 =	vld [tilespmem:s26+$0x80];
	v22 =	vpop (erf)  }
0x100: {  	v9 =	vshll.u32 v9, $0x3;
	v14 =	vadd.f32 v17, v14;
	v11 =	vadd.f32 v11, v19;
	v19 =	vld [tilespmem:s26+$0x100];
	v24 =	vpop (erf)  }
0x101: {  	vm0 =	vmmov vm2;
	v9 =	vand.u32 $0xC00, v9;
	v8 =	vor.u32 s0, v0;
	v17 =	vpop (erf)  }
0x102: {  	v8 =	vand.u32 $0x7F, v8;
	v10 =	vadd.f32 v15, v14;
	v12 =	vadd.f32 v13, v12;
	v25 =	vpop (erf)  }
0x103: {  	vm1 =	vgt.s32 v7, $0x0;
	v14 =	vadd.f32 v20, v18;
	v15 =	vadd.f32 v22, v21;
	v18 =	vpop (erf)  }
0x104: {  	v13 =	vld [tilespmem:s26+$0x180];
	v21 =	vmul.f32 $1.442695020e+00, v23;
	v17 =	vadd.f32 v17, v24;
	v18 =	vadd.f32 v18, v25  }
0x105: {  	v16 =	vmul.f32 $1.442695020e+00, v16;
	v11 =	vadd.f32 v12, v11;
	v24 =	vmul.f32 $1.442695020e+00, v19  }
0x106: {  	v12 =	vadd.f32 v15, v14;
	(erf) = vpow2.f32 v21;
	v14 =	vadd.f32 v18, v17  }
0x107: {  	v20 =	vnsel vm1, $0x1, v7;
	v11 =	vadd.f32 v11, v10;
	(erf) = vpow2.f32 v16  }
0x108: {  	vm2 =	vgt.s32 v20, $0x8;
	(erf) = vpow2.f32 v24;
	v10 =	vadd.f32 v14, v12  }
0x109: {  	v18 =	vmul.f32 $1.442695020e+00, v13;
	v13 =	vadd.s32 $0xFFFFFFFF, v20;
	v14 =	vand.u32 $0x7FFFFF, v11  }
0x10a: {  	v12 =	vshra.s32 v13, $0x3;
	v16 =	vor.u32 $0x3F800000, v14;
	v15 =	vand.u32 $0x7FFFFF, v10  }
0x10b: {  	v20 =	vld [tilespmem:s26+$0x200];
	v12 =	vnsel vm2, $0x0, v12;
	v17 =	vor.u32 $0x3F800000, v15;
	v15 =	vmul.f32 $5.000000000e-01, v16  }
0x10c: {  	v14 =	vshll.u32 v12, $0xC;
	vm3 =	vgt.f32 v16, $1.414213540e+00;
	v21 =	vmul.f32 $5.000000000e-01, v17  }
0x10d: {  	s0 =	sor.u32 s29, s0;
	v19 =	vor.u32 v9, v14;
	v14 =	vld [tilespmem:s26+$0x280];
	vm2 =	vgt.f32 v17, $1.414213540e+00;
	v16 =	vsel vm3, v15, v16  }
0x10e: {  	s0 =	sor.u32 $0x380, s0;
	v19 =	vor.u32 v8, v19;
	v15 =	vld [tilespmem:s26+$0x300];
	v17 =	vsel vm2, v21, v17;
	v25 =	vadd.f32 $1.000000000e+00, v16  }
0x10f: {  	s31 =	simm.s32 $0x120;
	v22 =	vor.u32 $0x80, v19;
	v23 =	vor.u32 $0x100, v19;
	v21 =	vld [tilespmem:s0+$0x0];
	v24 =	vadd.f32 $1.000000000e+00, v17  }
.LBB2_4:
0x110: {  	v26 =	vor.u32 $0x180, v19;
	v20 =	vmul.f32 $1.442695020e+00, v20;
	(erf) = vrcp.f32 v25  }
0x111: {  	p0 =	sne.s32 s31, $0x1F0;
	vm5 =	vmmov vm4;
	vm6 =	vmmov vm0;
	vm0 =	vmmov vm1  }
0x112: {  	v25 =	vor.u32 $0x200, v19;
	v27 =	vmul.f32 $1.442695020e+00, v14;
	v14 =	vpop (erf);
	(erf) = vrcp.f32 v24  }
0x113: {  	v28 =	vor.u32 $0x280, v19;
	v24 =	vld.idx.msk [tilespmem:v19+s2+$0x0], $0xffff;
	v29 =	vmul.f32 $1.442695020e+00, v15;
	v15 =	vpop (erf);
	(erf) = vpow2.f32 v18  }
0x114: {  	v18 =	vld.idx.msk [tilespmem:v22+s2+$0x0], $0xffff;
	v21 =	vmul.f32 $1.442695020e+00, v21;
	(erf) = vpow2.f32 v20;
	v20 =	vshll.u32 v6, $0x9  }
0x115: {  	v22 =	vld.idx.msk [tilespmem:v23+s2+$0x0], $0xffff;
	(erf) = vpow2.f32 v27;
	v20 =	vand.u32 $0xFFFFF000, v20;
	v23 =	vshll.u32 v6, $0x7;
	v6 =	vmovc v13  }
0x116: {  	v13 =	vld.idx.msk [tilespmem:v26+s2+$0x0], $0xffff;
	v26 =	vor.u32 $0x300, v19;
	(erf) = vpow2.f32 v29;
	v23 =	vand.u32 $0x380, v23  }
0x117: {  	v27 =	vadd.s32 $0xFFFFFFFF, v5;
	v5 =	vmovc v12;
	v19 =	vor.u32 $0x380, v19;
	v25 =	vld.idx.msk [tilespmem:v25+s2+$0x0], $0xffff;
	v20 =	vor.u32 v20, v23  }
0x118: {  	v12 =	vld.idx.msk [tilespmem:v28+s2+$0x0], $0xffff;
	(erf) = vpow2.f32 v21;
	v20 =	vor.u32 v4, v20;
	v21 =	vnsel vm5, $0x0, v27  }
0x119: {  	v16 =	vadd.f32 $-1.000000000e+00, v16;
	v23 =	vpop (erf);
	v20 =	vor.u32 v3, v20;
	v27 =	vshll.u32 v21, $0x9  }
0x11a: {  	v17 =	vadd.f32 $-1.000000000e+00, v17;
	v24 =	vmul.f32 $1.442695020e+00, v24;
	v18 =	vmul.f32 $1.442695020e+00, v18;
	v28 =	vpop (erf)  }
0x11b: {  	v21 =	vshll.u32 v21, $0x7;
	v22 =	vmul.f32 $1.442695020e+00, v22;
	v26 =	vld.idx.msk [tilespmem:v26+s2+$0x0], $0xffff;
	v16 =	vmul.f32 v28, v16;
	v28 =	vpop (erf)  }
0x11c: {  	v27 =	vand.u32 $0xFFFFF000, v27;
	v13 =	vmul.f32 $1.442695020e+00, v13;
	v19 =	vld.idx.msk [tilespmem:v19+s2+$0x0], $0xffff;
	v29 =	vpop (erf);
	v17 =	vmul.f32 v28, v17  }
0x11d: {  	v21 =	vand.u32 $0x380, v21;
	v25 =	vmul.f32 $1.442695020e+00, v25;
	v28 =	vpop (erf);
	v30 =	vmul.f32 v16, v16  }
0x11e: {  	v21 =	vor.u32 v27, v21;
	v12 =	vmul.f32 $1.442695020e+00, v12;
	v31 =	vpop (erf);
	v32 =	vmul.f32 v17, v17  }
0x11f: {  	v33 =	vor.u32 v4, v21;
	(erf) = vpow2.f32 v24;
	v24 =	vpop (erf);
	v27 =	vmul.f32 $1.428571490e-01, v30  }
0x120: {  	v4 =	vmovc v9;
	v21 =	vor.u32 v3, v33;
	v3 =	vmovc v8;
	(erf) = vpow2.f32 v18;
	v18 =	vmul.f32 $1.428571490e-01, v32  }
0x121: {  	v8 =	vmul.f32 $1.442695020e+00, v26;
	(erf) = vpow2.f32 v22;
	v22 =	vpop (erf);
	v9 =	vadd.f32 $2.000000030e-01, v27  }
0x122: {  	v19 =	vmul.f32 $1.442695020e+00, v19;
	(erf) = vpow2.f32 v13;
	v13 =	vadd.f32 $2.000000030e-01, v18  }
0x123: {  	v11 =	vshra.s32 v11, $0x17;
	(erf) = vpow2.f32 v25;
	v9 =	vmul.f32 v9, v30  }
0x124: {  	(erf) = vpow2.f32 v12;
	v12 =	vmul.f32 v13, v32;
	v13 =	vsel vm3, $0x1, v1  }
0x125: {  	(erf) = vpow2.f32 v8;
	v8 =	vadd.s32 v13, v11;
	v9 =	vadd.f32 $3.333333430e-01, v9  }
0x126: {  	v10 =	vshra.s32 v10, $0x17;
	v13 =	vsel vm2, $0x1, v1;
	v12 =	vadd.f32 $3.333333430e-01, v12  }
0x127: {  	v10 =	vadd.s32 v13, v10;
	v8 =	vadd.s32 $0xFFFFFF81, v8;
	v9 =	vmul.f32 v9, v30  }
0x128: {  	v10 =	vadd.s32 $0xFFFFFF81, v10;
	v8 =	vcvt.s32.f32 v8;
	v11 =	vpop (erf);
	v12 =	vmul.f32 v12, v32  }
0x129: {  	v16 =	vadd.f32 v16, v16;
	v10 =	vcvt.s32.f32 v10;
	v13 =	vpop (erf);
	v18 =	vld.idx.msk [tilespmem:v20+s2+$0x0], $0xffff;
	v9 =	vadd.f32 $1.000000000e+00, v9  }
0x12a: {  	v17 =	vadd.f32 v17, v17;
	v20 =	vpop (erf);
	(erf) = vpow2.f32 v19;
	v12 =	vadd.f32 $1.000000000e+00, v12;
	v19 =	vld.idx.msk [tilespmem:v21+s2+$0x0], $0xffff  }
0x12b: {  	s30 =	sadd.s32 $0x10, s30;
	v25 =	vmul.f32 $6.931471820e-01, v8;
	v10 =	vmul.f32 $6.931471820e-01, v10;
	v21 =	vpop (erf)  }
0x12c: {  	s29 =	sadd.s32 $0x80, s29;
	v8 =	vor.u32 s31, v0;
	v9 =	vmul.f32 v9, v16;
	v26 =	vld [tilespmem:s30+$0x0];
	v27 =	vpop (erf);
	v12 =	vmul.f32 v12, v17  }
0x12d: {  	s0 =	sand.u32 $0x70, s31;
	s26 =	sand.u32 $0xC00, s29;
	v14 =	vadd.f32 v15, v14;
	v8 =	vand.u32 $0x7F, v8;
	v16 =	vmov s31;
	v15 =	vpop (erf)  }
0x12e: {  	s0 =	sor.u32 s0, s26;
	v16 =	vshll.u32 v16, $0x3;
	v17 =	vpop (erf);
	v10 =	vadd.f32 v12, v10;
	v12 =	vadd.f32 v9, v25  }
0x12f: {  	v23 =	vadd.f32 v29, v23;
	v9 =	vand.u32 $0xC00, v16;
	v25 =	vadd.f32 v31, v28;
	v16 =	vld [tilespmem:s0+$0x0]  }
0x130: {  	vm4 =	vgt.s32 v7, $0x8;
	v28 =	vld [tilespmem:s0+$0x80];
	v10 =	vsub.f32 v10, v18;
	v12 =	vsub.f32 v12, v19  }
0x131: {  	v14 =	vadd.f32 v23, v14;
	v19 =	vadd.f32 v22, v24;
	vm1 =	vgt.s32 v26, $0x0;
	v18 =	vld [tilespmem:s0+$0x100];
	v7 =	vmovc v26  }
0x132: {  	v11 =	vadd.f32 v13, v11;
	v22 =	vld [tilespmem:s0+$0x180];
	v10 =	vnsel vm6, $0x0, v10;
	v12 =	vnsel vm5, $0x0, v12  }
0x133: {  	v20 =	vadd.f32 v21, v20;
	v13 =	vnsel vm1, $0x1, v7;
	v21 =	vpop (erf);
	v10 =	vadd.f32 v12, v10  }
0x134: {  	v15 =	vadd.f32 v15, v27;
	v12 =	vmul.f32 $1.442695020e+00, v16;
	v16 =	vadd.f32 v21, v17  }
0x135: {  	v19 =	vadd.f32 v19, v25;
	v17 =	vmul.f32 $1.442695020e+00, v28;
	v2 =	vadd.f32 v10, v2  }
0x136: {  	v10 =	vadd.f32 v20, v11;
	v24 =	vmul.f32 $1.442695020e+00, v18;
	v15 =	vadd.f32 v16, v15  }
0x137: {  	vm2 =	vgt.s32 v13, $0x8;
	v11 =	vadd.f32 v19, v14;
	v18 =	vmul.f32 $1.442695020e+00, v22  }
0x138: {  	v13 =	vadd.s32 $0xFFFFFFFF, v13;
	(erf) = vpow2.f32 v12;
	v10 =	vadd.f32 v15, v10  }
0x139: {  	v14 =	vand.u32 $0x7FFFFF, v11;
	v12 =	vshra.s32 v13, $0x3;
	(erf) = vpow2.f32 v17  }
0x13a: {  	v16 =	vor.u32 $0x3F800000, v14;
	v12 =	vnsel vm2, $0x0, v12;
	v15 =	vand.u32 $0x7FFFFF, v10  }
.Ltmp1:
0x13b: {  	v21 =	vmul.f32 $5.000000000e-01, v16;
	v14 =	vshll.u32 v12, $0xC;
	v20 =	vld [tilespmem:s0+$0x200];
	v17 =	vor.u32 $0x3F800000, v15;
	(pc) =	sbr.rel @p0 .LBB2_4-.Ltmp1, $4  }
0x13c: {  	s26 =	sor.u32 s29, s31;
	vm3 =	vgt.f32 v16, $1.414213540e+00;
	v15 =	vor.u32 v9, v14;
	v14 =	vld [tilespmem:s0+$0x280];
	v23 =	vmul.f32 $5.000000000e-01, v17  }
0x13d: {  	v16 =	vsel vm3, v21, v16;
	v19 =	vor.u32 v8, v15;
	vm2 =	vgt.f32 v17, $1.414213540e+00;
	v15 =	vld [tilespmem:s0+$0x300];
	s0 =	sor.u32 $0x380, s26  }
0x13e: {  	v25 =	vadd.f32 $1.000000000e+00, v16;
	v22 =	vor.u32 $0x80, v19;
	v21 =	vld [tilespmem:s0+$0x0];
	v17 =	vsel vm2, v23, v17  }
0x13f: {  	s31 =	sadd.s32 $0x10, s31;
	v23 =	vor.u32 $0x100, v19;
	(erf) = vpow2.f32 v24;
	v24 =	vadd.f32 $1.000000000e+00, v17  }
0x140: {  	_ =	sdelay $0x1  }
0x141: {  	v26 =	vor.u32 $0x180, v19  }
0x142: {  	v27 =	vor.u32 $0x200, v19  }
0x143: {  	(erf) = vrcp.f32 v25;
	v51 =	vld.idx.msk [tilespmem:v19+s2+$0x0], $0xffff;
	v28 =	vor.u32 $0x280, v19  }
0x144: {  	v20 =	vmul.f32 $1.442695020e+00, v20;
	v22 =	vld.idx.msk [tilespmem:v22+s2+$0x0], $0xffff;
	v52 =	vor.u32 $0x300, v19;
	(erf) = vrcp.f32 v24  }
0x145: {  	v53 =	vld.idx.msk [tilespmem:v23+s2+$0x0], $0xffff;
	v54 =	vor.u32 $0x380, v19;
	v14 =	vmul.f32 $1.442695020e+00, v14;
	(erf) = vpow2.f32 v18  }
0x146: {  	v15 =	vmul.f32 $1.442695020e+00, v15;
	(erf) = vpow2.f32 v20;
	v55 =	vld.idx.msk [tilespmem:v26+s2+$0x0], $0xffff  }
0x147: {  	v21 =	vmul.f32 $1.442695020e+00, v21;
	(erf) = vpow2.f32 v14;
	v56 =	vld.idx.msk [tilespmem:v27+s2+$0x0], $0xffff  }
0x148: {  	(erf) = vpow2.f32 v15;
	v57 =	vld.idx.msk [tilespmem:v28+s2+$0x0], $0xffff;
	v58 =	vmul.f32 $1.442695020e+00, v51  }
0x149: {  	v59 =	vpop (erf);
	v60 =	vmul.f32 $1.442695020e+00, v22;
	v61 =	vld.idx.msk [tilespmem:v52+s2+$0x0], $0xffff;
	(erf) = vpow2.f32 v21  }
0x14a: {  	v62 =	vpop (erf);
	v18 =	vmul.f32 $1.442695020e+00, v53;
	v19 =	vld.idx.msk [tilespmem:v54+s2+$0x0], $0xffff;
	(erf) = vpow2.f32 v58  }
0x14b: {  	v63 =	vpop (erf);
	(erf) = vpow2.f32 v60;
	v20 =	vmul.f32 $1.442695020e+00, v55  }
0x14c: {  	v33 =	vpop (erf);
	(erf) = vpow2.f32 v18;
	v14 =	vmul.f32 $1.442695020e+00, v56  }
0x14d: {  	v34 =	vpop (erf);
	v15 =	vmul.f32 $1.442695020e+00, v57;
	(erf) = vpow2.f32 v20  }
0x14e: {  	v22 =	vmul.f32 $1.442695020e+00, v61;
	v35 =	vpop (erf);
	(erf) = vpow2.f32 v14  }
0x14f: {  	v19 =	vmul.f32 $1.442695020e+00, v19;
	v36 =	vpop (erf);
	(erf) = vpow2.f32 v15  }
0x150: {  	v37 =	vpop (erf);
	(erf) = vpow2.f32 v22  }
0x151: {  	v38 =	vpop (erf);
	(erf) = vpow2.f32 v19  }
0x152: {  	v39 =	vpop (erf)  }
0x153: {  	v40 =	vpop (erf)  }
0x154: {  	v41 =	vpop (erf)  }
0x155: {  	v29 =	vpop (erf)  }
0x156: {  	v42 =	vshll.u32 v6, $0x9;
	vm4 =	vmmov vm4;
	v43 =	vshll.u32 v6, $0x7;
	v30 =	vpop (erf)  }
0x157: {  	v16 =	vadd.f32 $-1.000000000e+00, v16;
	v17 =	vadd.f32 $-1.000000000e+00, v17;
	v5 =	vadd.s32 $0xFFFFFFFF, v5;
	v31 =	vpop (erf)  }
0x158: {  	v10 =	vshra.s32 v10, $0x17;
	v24 =	vadd.f32 v62, v59;
	v20 =	vadd.f32 v35, v63;
	v44 =	vpop (erf)  }
0x159: {  	vm14 =	vgt.s32 v7, $0x8;
	v14 =	vadd.f32 v37, v36;
	v46 =	vadd.f32 v39, v38;
	v45 =	vpop (erf)  }
0x15a: {  	v12 =	vadd.s32 $0xFFFFFFFF, v12;
	v47 =	vadd.f32 v41, v40;
	v48 =	vadd.f32 v30, v29;
	v49 =	vpop (erf)  }
0x15b: {  	v6 =	vand.u32 $0x380, v43;
	v25 =	vadd.f32 v44, v31;
	v23 =	vadd.f32 v49, v45  }
0x15c: {  	v5 =	vnsel vm4, $0x0, v5;
	v20 =	vadd.f32 v20, v24;
	v14 =	vadd.f32 v46, v14  }
0x15d: {  	v28 =	vand.u32 $0xFFFFF000, v42;
	v51 =	vadd.f32 v48, v47;
	v52 =	vadd.f32 v23, v25  }
0x15e: {  	v53 =	vshll.u32 v5, $0x9;
	v5 =	vshll.u32 v5, $0x7;
	v14 =	vadd.f32 v14, v20  }
0x15f: {  	v6 =	vor.u32 v28, v6;
	v50 =	vmul.f32 v33, v16;
	v16 =	vadd.f32 v52, v51  }
0x160: {  	v5 =	vand.u32 $0x380, v5;
	v6 =	vor.u32 v4, v6;
	v56 =	vand.u32 $0x7FFFFF, v14  }
0x161: {  	v6 =	vor.u32 v3, v6;
	v21 =	vor.u32 $0x3F800000, v56;
	v58 =	vand.u32 $0x7FFFFF, v16  }
0x162: {  	v18 =	vand.u32 $0xFFFFF000, v53;
	v60 =	vmul.f32 $5.000000000e-01, v21;
	v23 =	vor.u32 $0x3F800000, v58  }
0x163: {  	v61 =	vsel vm3, $0x1, v1;
	vm12 =	vgt.f32 v21, $1.414213540e+00;
	v62 =	vmul.f32 $5.000000000e-01, v23  }
0x164: {  	v5 =	vor.u32 v18, v5;
	v21 =	vsel vm12, v60, v21;
	vm13 =	vgt.f32 v23, $1.414213540e+00  }
0x165: {  	v54 =	vmul.f32 v50, v50;
	v25 =	vadd.f32 $1.000000000e+00, v21;
	v23 =	vsel vm13, v62, v23  }
0x166: {  	v33 =	vshra.s32 v11, $0x17;
	v17 =	vmul.f32 v34, v17;
	v27 =	vadd.f32 $1.000000000e+00, v23  }
0x167: {  	vm3 =	vmmov vm14;
	v57 =	vmul.f32 $1.428571490e-01, v54;
	(erf) = vrcp.f32 v25  }
0x168: {  	v32 =	vor.u32 v4, v5;
	v5 =	vadd.s32 v61, v33;
	(erf) = vrcp.f32 v27  }
0x169: {  	v12 =	vnsel vm3, $0x0, v12;
	v63 =	vsel vm2, $0x1, v1;
	v22 =	vadd.f32 $2.000000030e-01, v57  }
0x16a: {  	v5 =	vadd.s32 $0xFFFFFF81, v5;
	v3 =	vor.u32 v3, v32;
	v55 =	vmul.f32 v17, v17  }
0x16b: {  	v10 =	vadd.s32 v63, v10;
	v5 =	vcvt.s32.f32 v5;
	v22 =	vmul.f32 v22, v54  }
0x16c: {  	v35 =	vadd.f32 v17, v17;
	v10 =	vadd.s32 $0xFFFFFF81, v10;
	v59 =	vmul.f32 $1.428571490e-01, v55  }
0x16d: {  	v15 =	vadd.f32 v50, v50;
	v50 =	vshll.u32 v12, $0x9;
	v34 =	vadd.f32 $3.333333430e-01, v22  }
0x16e: {  	v12 =	vshll.u32 v12, $0x7;
	v10 =	vcvt.s32.f32 v10;
	v24 =	vadd.f32 $2.000000030e-01, v59  }
0x16f: {  	v5 =	vmul.f32 $6.931471820e-01, v5;
	v12 =	vand.u32 $0x380, v12;
	v11 =	vmul.f32 v34, v54  }
0x170: {  	v31 =	vmul.f32 v24, v55;
	v37 =	vadd.f32 $-1.000000000e+00, v21;
	v38 =	vadd.f32 $-1.000000000e+00, v23;
	v39 =	vpop (erf)  }
0x171: {  	v10 =	vmul.f32 $6.931471820e-01, v10;
	v11 =	vadd.f32 $1.000000000e+00, v11;
	v44 =	vshll.u32 v13, $0x9;
	v42 =	vpop (erf)  }
0x172: {  	v18 =	vadd.f32 $3.333333430e-01, v31;
	v41 =	vmul.f32 v39, v37;
	v43 =	vmul.f32 v42, v38  }
0x173: {  	v11 =	vmul.f32 v11, v15;
	v45 =	vshll.u32 v13, $0x7;
	v15 =	vand.u32 $0xFFFFF000, v44  }
0x174: {  	v13 =	vand.u32 $0x380, v45;
	v46 =	vmul.f32 v41, v41;
	v47 =	vmul.f32 v43, v43  }
0x175: {  	v40 =	vsel vm12, $0x1, v1;
	v18 =	vmul.f32 v18, v55;
	v13 =	vor.u32 v15, v13  }
0x176: {  	v21 =	vand.u32 $0xFFFFF000, v50;
	v48 =	vmul.f32 $1.428571490e-01, v46;
	v49 =	vmul.f32 $1.428571490e-01, v47  }
0x177: {  	v13 =	vor.u32 v9, v13;
	v12 =	vor.u32 v21, v12;
	v36 =	vadd.f32 $1.000000000e+00, v18  }
0x178: {  	v51 =	vor.u32 v9, v12;
	v15 =	vadd.f32 $2.000000030e-01, v48;
	v20 =	vadd.f32 $2.000000030e-01, v49  }
0x179: {  	v13 =	vor.u32 v8, v13;
	v52 =	vshra.s32 v14, $0x17;
	v54 =	vor.u32 v8, v51  }
0x17a: {  	v55 =	vadd.s32 v40, v52;
	v15 =	vmul.f32 v15, v46;
	v53 =	vmul.f32 v20, v47  }
0x17b: {  	v4 =	vmul.f32 v36, v35;
	v57 =	vshra.s32 v16, $0x17;
	v9 =	vadd.s32 $0xFFFFFF81, v55  }
0x17c: {  	v58 =	vsel vm13, $0x1, v1;
	v56 =	vadd.f32 $3.333333430e-01, v15;
	v14 =	vadd.f32 $3.333333430e-01, v53  }
0x17d: {  	v6 =	vld.idx.msk [tilespmem:v6+s2+$0x0], $0xffff;
	v9 =	vcvt.s32.f32 v9;
	v4 =	vadd.f32 v4, v10;
	v15 =	vadd.s32 v58, v57  }
0x17e: {  	v3 =	vld.idx.msk [tilespmem:v3+s2+$0x0], $0xffff;
	v15 =	vadd.s32 $0xFFFFFF81, v15;
	v12 =	vmul.f32 v56, v46;
	v14 =	vmul.f32 v14, v47  }
0x17f: {  	v7 =	vadd.f32 v41, v41;
	v10 =	vadd.f32 v43, v43;
	v15 =	vcvt.s32.f32 v15  }
0x180: {  	v13 =	vld.idx.msk [tilespmem:v13+s2+$0x0], $0xffff;
	v12 =	vadd.f32 $1.000000000e+00, v12;
	v14 =	vadd.f32 $1.000000000e+00, v14  }
0x181: {  	v5 =	vadd.f32 v11, v5;
	v9 =	vmul.f32 $6.931471820e-01, v9;
	v8 =	vld.idx.msk [tilespmem:v54+s2+$0x0], $0xffff;
	v59 =	vmul.f32 $6.931471820e-01, v15  }
0x182: {  	v7 =	vmul.f32 v12, v7;
	v10 =	vmul.f32 v14, v10  }
0x183: {  	v3 =	vsub.f32 v5, v3;
	v4 =	vsub.f32 v4, v6  }
0x184: {  	v61 =	vadd.f32 v7, v9;
	v60 =	vadd.f32 v10, v59  }
0x185: {  	vm0 =	vmmov vm0;
	vm1 =	vmmov vm1;
	v3 =	vnsel vm4, $0x0, v3  }
0x186: {  	v4 =	vnsel vm0, $0x0, v4;
	v6 =	vsub.f32 v61, v8;
	v5 =	vsub.f32 v60, v13  }
0x187: {  	vm15 =	vmmov vm1;
	v3 =	vadd.f32 v3, v4  }
0x188: {  	v63 =	vnsel vm3, $0x0, v6;
	v62 =	vnsel vm15, $0x0, v5  }
0x189: {  	v2 =	vadd.f32 v3, v2;
	v3 =	vadd.f32 v63, v62;
	_ =	sdelay $0x1  }
0x18a: {  	s28 =	sadd.s32 $0x1, s28;
	v2 =	vadd.f32 v3, v2  }
0x18b: {  	p0 =	sne.s32 s28, s7  }
.Ltmp2:
0x18c: {  	s0 =	simm.s32 $0x9200;
	[tilespmem:$0x9200] =	vst v2;
	(pc) =	sbr.rel @p0 .LBB2_1-.Ltmp2, $4  }
0x18d: {  	[hbm4b:s6+s2] =	stream.linear.scatter [tilespmem:s0], [sflag:$0x3], $0x80, $0x38;
	[tilespmem:$0x9280] =	vst v63  }
0x18e: {  	_ =	swait.ge [sflag:s1], $0x80  }
0x18f: {  	[sflag:s1] =	ssyncset.done $0x0  }
0x190: {  	[sflag:s1] =	ssyncadd.s32 $0xFFFFFF80  }
0x191: {  	_ =	sfence.sel $0x180000  }
0x192: {  	[bflag:$0x0] =	sbarrier.arrive $0xFFFF  }
0x193: {  	_ =	strace $0x90000047  }
0x194: {  	s0 =	stileid.u32;
	[bflag:$0x2] =	sbarrier.arrive $0xFFFF  }
0x195: {  	p0 =	sne.s32 s0, $0x0;
	s0 =	rddreg [dreg:$0x3]  }
0x196: {  	s0 =	sadd.s32 @!p0 $0x100000, s0  }
0x197: {  	[sflag:s0] =	ssyncadd.tile.s32 @!p0 $0x1;
	_ =	shalt  }
.Lfunc_end2:
_tile_overlayer_lowered:
.L_overlay_start_2:
0x198: {  	(tag) =	ssettag $0x2  }
0x199: {  	s0 =	rddreg [dreg:$0x0];
	s2 =	stileid.u32  }
0x19a: {  	s1 =	rddreg [dreg:$0x1];
	p0 =	sne.s32 s2, $0x0  }
0x19b: {  	s3 =	rddreg [dreg:$0x2];
	[bflag:$0x3] =	sbarrier.arrive $0xFFFF;
	s2 =	simm.s32 @!p0 $0x1C03  }
0x19c: {  	[timem:s3], [sflag:s2] =	dma.local @!p0 [hbm:s0], s1  }
0x19d: {  	s0 =	simm.s32 @!p0 $0x3  }
0x19e: {  	_ =	swait.ge @!p0 [sflag:s0], s1  }
0x19f: {  	s1 =	ssub.s32 @!p0 $0x0, s1;
	[sflag:s0] =	ssyncset.done @!p0 $0x0  }
0x1a0: {  	[sflag:s0] =	ssyncadd.s32 @!p0 s1  }
0x1a1: {  	[bflag:$0x3] =	sbarrier.arrive $0xFFFF  }
0x1a2: {  	_ =	shalt  }

</sc_bundles>
